<compile_context>
chip_gen: v7x
topology: tpu7x:2x2x1
jax: 0.10.2.dev20260603
libtpu: 0.0.44.dev20260713+nightly
codegen_flags: <defaults>
</compile_context>

<pallas_src>
import functools

import jax
import jax.numpy as jnp
from jax import lax
from jax.experimental import pallas as pl
from jax.experimental.pallas import tpu as pltpu
from jax.experimental.pallas import tpu_sc as plsc

NUM_KEYS = 13
EMBED_DIM = 64
BATCH = 16384

NC, NS = 2, 16
NW = NC * NS
BPW = BATCH // NW
LANES = 16
GROUPS = BPW // LANES
DBLOCK = 32
NDBLK = EMBED_DIM // DBLOCK


def _projt_body(emb_ref, w_ref, b_ref, out_ref):
    res = lax.dot_general(
        w_ref[...], emb_ref[...],
        dimension_numbers=(((1,), (1,)), ((), ())),
        preferred_element_type=jnp.float32,
    ) + b_ref[...].T
    out_ref[:, :NUM_KEYS] = res
    out_ref[:, NUM_KEYS:] = jnp.zeros(
        (EMBED_DIM, LANES - NUM_KEYS), jnp.float32)


def _project_table_t(emb_table, W, b):
    return pl.pallas_call(
        _projt_body,
        out_shape=jax.ShapeDtypeStruct((EMBED_DIM, LANES), jnp.float32),
    )(emb_table, W, b.reshape(1, EMBED_DIM))


def _gather_body(tabt_hbm, idx_hbm, out_hbm, tabt_v, idx_v, cols_v, sem):
    wid = lax.axis_index("s") * NC + lax.axis_index("c")
    pltpu.async_copy(tabt_hbm, tabt_v, sem).wait()
    pltpu.sync_copy(idx_hbm.at[pl.ds(wid * BPW, BPW)], idx_v)

    dnums = lax.GatherDimensionNumbers(
        offset_dims=(), collapsed_slice_dims=(0,), start_index_map=(0,))

    def make_group(blk, colregs):
        def group(g, carry):
            vi = idx_v[pl.ds(g * LANES, LANES)]
            for dd in range(DBLOCK):
                vals = lax.gather(
                    colregs[dd], vi[:, None], dnums, (1,),
                    mode=lax.GatherScatterMode.PROMISE_IN_BOUNDS)
                cols_v[blk * DBLOCK + dd, pl.ds(g * LANES, LANES)] = vals
            return carry
        return group

    copies = []
    for blk in range(NDBLK):
        colregs = [tabt_v[blk * DBLOCK + dd] for dd in range(DBLOCK)]
        lax.fori_loop(0, GROUPS, make_group(blk, colregs), 0)
        copies.append(pltpu.async_copy(
            cols_v.at[pl.ds(blk * DBLOCK, DBLOCK)],
            out_hbm.at[pl.ds(blk * DBLOCK, DBLOCK),
                       pl.ds(wid * BPW, BPW)],
            sem,
        ))
    for c in copies:
        c.wait()


_gather = pl.kernel(
    _gather_body,
    out_type=jax.ShapeDtypeStruct((EMBED_DIM, BATCH), jnp.float32),
    mesh=plsc.VectorSubcoreMesh(
        core_axis_name="c", subcore_axis_name="s",
        num_cores=NC, num_subcores=NS,
    ),
    scratch_types=[
        pltpu.VMEM((EMBED_DIM, LANES), jnp.float32),
        pltpu.VMEM((BPW,), jnp.int32),
        pltpu.VMEM((EMBED_DIM, BPW), jnp.float32),
        pltpu.SemaphoreType.DMA,
    ],
    compiler_params=pltpu.CompilerParams(
        use_tc_tiling_on_sc=True, needs_layout_passes=False),
)


def kernel(key_idx, emb_table, W, b):
    projt = _project_table_t(emb_table, W, b)
    idx = key_idx.astype(jnp.int32)
    out_t = _gather(projt, idx)
    return out_t.T[:, None, :]

# --- scband reference (transcript-rebuilt; emitter-appended) ---
"""Pipeline reference for scband-key-embedding-69226282877574 (READ-ONLY COPY).

The authoritative reference and input builder live on the scoring server;
editing this copy changes nothing except your own understanding.
"""

import jax, jax.numpy as jnp
import numpy as np

NUM_KEYS = 13
EMBED_DIM = 64
BATCH = 16384

def setup_inputs(seed: int = 0) -> dict:
    key = jax.random.key(seed)
    k1, k2, k3, k4 = jax.random.split(key, 4)
    key_idx = jax.random.randint(k1, (BATCH,), 0, NUM_KEYS, dtype=jnp.int64 if jax.config.jax_enable_x64 else jnp.int32)
    emb_table = jax.random.normal(k2, (NUM_KEYS, EMBED_DIM), dtype=jnp.float32)
    # nn.Linear: weight (out, in), bias (out,)
    bound = 1.0 / np.sqrt(EMBED_DIM)
    W = jax.random.uniform(k3, (EMBED_DIM, EMBED_DIM), minval=-bound, maxval=bound, dtype=jnp.float32)
    b = jax.random.uniform(k4, (EMBED_DIM,), minval=-bound, maxval=bound, dtype=jnp.float32)
    return {"key_idx": key_idx, "emb_table": emb_table, "W": W, "b": b}

def reference(key_idx, emb_table, W, b):
    # emb = nn.Embedding lookup
    e = jnp.take(emb_table, key_idx, axis=0)            # (B, D)
    # proj = nn.Linear: y = e @ W.T + b
    y = e @ W.T + b                                      # (B, D)
    return y[:, None, :]                                 # (B, 1, D)

if __name__ == "__main__":
    import jax
    _d = setup_inputs()
    print(jax.jit(kernel)(*tuple(_d.values())))

</pallas_src>

<mosaic_0001>
#map = affine_map<(d0, d1) -> (0, 0)>
#map1 = affine_map<(d0, d1) -> (0)>
module attributes {stable_mosaic.version = 14 : i64} {
  func.func @_gather_body(%arg0: i32, %arg1: i32, %arg2: memref<64x16xf32, #tpu.memory_space<hbm>>, %arg3: memref<16384xi32, #tpu.memory_space<hbm>>, %arg4: memref<64x16384xf32, #tpu.memory_space<hbm>>, %arg5: memref<64x16xf32, #tpu.memory_space<vmem>>, %arg6: memref<512xi32, #tpu.memory_space<vmem>>, %arg7: memref<64x512xf32, #tpu.memory_space<vmem>>, %arg8: memref<!tpu.dma_semaphore, #tpu.memory_space<semaphore_mem>>) attributes {dimension_semantics = [#tpu.dimension_semantics<core_parallel>, #tpu.dimension_semantics<subcore_parallel>], iteration_bounds = array<i64: 2, 16>, scalar_prefetch = 0 : i64, scratch_operands = 4 : i64, tpu.core_type = #tpu.core_type<sc_vector_subcore>, window_params = [{transform_indices = #map}, {transform_indices = #map1}, {transform_indices = #map}]} {
    %mul3A = arith.constant 2 : i32
    %mul3A_0 = arith.muli %arg1, %mul3A : i32
    %add3A = arith.addi %mul3A_0, %arg0 : i32
    tpu.enqueue_dma source(%arg2 : memref<64x16xf32, #tpu.memory_space<hbm>>) target(%arg5 : memref<64x16xf32, #tpu.memory_space<vmem>>) target_semaphore(%arg8 : memref<!tpu.dma_semaphore, #tpu.memory_space<semaphore_mem>>)
    tpu.wait_dma2 semaphore(%arg8 : memref<!tpu.dma_semaphore, #tpu.memory_space<semaphore_mem>>) src(%arg2 : memref<64x16xf32, #tpu.memory_space<hbm>>) dst(%arg5 : memref<64x16xf32, #tpu.memory_space<vmem>>)
    %mul3A_1 = arith.constant 512 : i32
    %mul3A_2 = arith.muli %add3A, %mul3A_1 : i32
    "tpu.region"() ({
      %run_scoped3A = tpu.sem_alloc : memref<!tpu.dma_semaphore, #tpu.memory_space<semaphore_mem>>
      %dma_start3A_311 = tpu.memref_slice %arg3[%mul3A_2] : memref<16384xi32, #tpu.memory_space<hbm>> -> memref<512xi32, #tpu.memory_space<hbm>>
      %dma_start3A_312 = tpu.memref_slice %arg3[%mul3A_2] : memref<16384xi32, #tpu.memory_space<hbm>> -> memref<512xi32, #tpu.memory_space<hbm>>
      tpu.enqueue_dma source(%dma_start3A_312 : memref<512xi32, #tpu.memory_space<hbm>>) target(%arg6 : memref<512xi32, #tpu.memory_space<vmem>>) target_semaphore(%run_scoped3A : memref<!tpu.dma_semaphore, #tpu.memory_space<semaphore_mem>>)
      %dma_wait3A_313 = tpu.memref_slice %arg3[%mul3A_2] : memref<16384xi32, #tpu.memory_space<hbm>> -> memref<512xi32, #tpu.memory_space<hbm>>
      %dma_wait3A_314 = tpu.memref_slice %arg3[%mul3A_2] : memref<16384xi32, #tpu.memory_space<hbm>> -> memref<512xi32, #tpu.memory_space<hbm>>
      tpu.wait_dma2 semaphore(%run_scoped3A : memref<!tpu.dma_semaphore, #tpu.memory_space<semaphore_mem>>) src(%dma_wait3A_314 : memref<512xi32, #tpu.memory_space<hbm>>) dst(%arg6 : memref<512xi32, #tpu.memory_space<vmem>>)
      tpu.yield
    }) : () -> ()
    %get3A = arith.constant 0 : i32
    %get3A_3 = arith.index_cast %get3A : i32 to index
    %get3A_4 = arith.constant 0 : index
    %get3A_5 = tpu.vector_load %arg5[%get3A_3, %get3A_4] {strides = array<i32>} : memref<64x16xf32, #tpu.memory_space<vmem>>, vector<16xf32>,
    %get3A_6 = arith.constant 1 : i32
    %get3A_7 = arith.index_cast %get3A_6 : i32 to index
    %get3A_8 = arith.constant 0 : index
    %get3A_9 = tpu.vector_load %arg5[%get3A_7, %get3A_8] {strides = array<i32>} : memref<64x16xf32, #tpu.memory_space<vmem>>, vector<16xf32>,
    %get3A_10 = arith.constant 2 : i32
    %get3A_11 = arith.index_cast %get3A_10 : i32 to index
    %get3A_12 = arith.constant 0 : index
    %get3A_13 = tpu.vector_load %arg5[%get3A_11, %get3A_12] {strides = array<i32>} : memref<64x16xf32, #tpu.memory_space<vmem>>, vector<16xf32>,
    %get3A_14 = arith.constant 3 : i32
    %get3A_15 = arith.index_cast %get3A_14 : i32 to index
    %get3A_16 = arith.constant 0 : index
    %get3A_17 = tpu.vector_load %arg5[%get3A_15, %get3A_16] {strides = array<i32>} : memref<64x16xf32, #tpu.memory_space<vmem>>, vector<16xf32>,
    %get3A_18 = arith.constant 4 : i32
    %get3A_19 = arith.index_cast %get3A_18 : i32 to index
    %get3A_20 = arith.constant 0 : index
    %get3A_21 = tpu.vector_load %arg5[%get3A_19, %get3A_20] {strides = array<i32>} : memref<64x16xf32, #tpu.memory_space<vmem>>, vector<16xf32>,
    %get3A_22 = arith.constant 5 : i32
    %get3A_23 = arith.index_cast %get3A_22 : i32 to index
    %get3A_24 = arith.constant 0 : index
    %get3A_25 = tpu.vector_load %arg5[%get3A_23, %get3A_24] {strides = array<i32>} : memref<64x16xf32, #tpu.memory_space<vmem>>, vector<16xf32>,
    %get3A_26 = arith.constant 6 : i32
    %get3A_27 = arith.index_cast %get3A_26 : i32 to index
    %get3A_28 = arith.constant 0 : index
    %get3A_29 = tpu.vector_load %arg5[%get3A_27, %get3A_28] {strides = array<i32>} : memref<64x16xf32, #tpu.memory_space<vmem>>, vector<16xf32>,
    %get3A_30 = arith.constant 7 : i32
    %get3A_31 = arith.index_cast %get3A_30 : i32 to index
    %get3A_32 = arith.constant 0 : index
    %get3A_33 = tpu.vector_load %arg5[%get3A_31, %get3A_32] {strides = array<i32>} : memref<64x16xf32, #tpu.memory_space<vmem>>, vector<16xf32>,
    %get3A_34 = arith.constant 8 : i32
    %get3A_35 = arith.index_cast %get3A_34 : i32 to index
    %get3A_36 = arith.constant 0 : index
    %get3A_37 = tpu.vector_load %arg5[%get3A_35, %get3A_36] {strides = array<i32>} : memref<64x16xf32, #tpu.memory_space<vmem>>, vector<16xf32>,
    %get3A_38 = arith.constant 9 : i32
    %get3A_39 = arith.index_cast %get3A_38 : i32 to index
    %get3A_40 = arith.constant 0 : index
    %get3A_41 = tpu.vector_load %arg5[%get3A_39, %get3A_40] {strides = array<i32>} : memref<64x16xf32, #tpu.memory_space<vmem>>, vector<16xf32>,
    %get3A_42 = arith.constant 10 : i32
    %get3A_43 = arith.index_cast %get3A_42 : i32 to index
    %get3A_44 = arith.constant 0 : index
    %get3A_45 = tpu.vector_load %arg5[%get3A_43, %get3A_44] {strides = array<i32>} : memref<64x16xf32, #tpu.memory_space<vmem>>, vector<16xf32>,
    %get3A_46 = arith.constant 11 : i32
    %get3A_47 = arith.index_cast %get3A_46 : i32 to index
    %get3A_48 = arith.constant 0 : index
    %get3A_49 = tpu.vector_load %arg5[%get3A_47, %get3A_48] {strides = array<i32>} : memref<64x16xf32, #tpu.memory_space<vmem>>, vector<16xf32>,
    %get3A_50 = arith.constant 12 : i32
    %get3A_51 = arith.index_cast %get3A_50 : i32 to index
    %get3A_52 = arith.constant 0 : index
    %get3A_53 = tpu.vector_load %arg5[%get3A_51, %get3A_52] {strides = array<i32>} : memref<64x16xf32, #tpu.memory_space<vmem>>, vector<16xf32>,
    %get3A_54 = arith.constant 13 : i32
    %get3A_55 = arith.index_cast %get3A_54 : i32 to index
    %get3A_56 = arith.constant 0 : index
    %get3A_57 = tpu.vector_load %arg5[%get3A_55, %get3A_56] {strides = array<i32>} : memref<64x16xf32, #tpu.memory_space<vmem>>, vector<16xf32>,
    %get3A_58 = arith.constant 14 : i32
    %get3A_59 = arith.index_cast %get3A_58 : i32 to index
    %get3A_60 = arith.constant 0 : index
    %get3A_61 = tpu.vector_load %arg5[%get3A_59, %get3A_60] {strides = array<i32>} : memref<64x16xf32, #tpu.memory_space<vmem>>, vector<16xf32>,
    %get3A_62 = arith.constant 15 : i32
    %get3A_63 = arith.index_cast %get3A_62 : i32 to index
    %get3A_64 = arith.constant 0 : index
    %get3A_65 = tpu.vector_load %arg5[%get3A_63, %get3A_64] {strides = array<i32>} : memref<64x16xf32, #tpu.memory_space<vmem>>, vector<16xf32>,
    %get3A_66 = arith.constant 16 : i32
    %get3A_67 = arith.index_cast %get3A_66 : i32 to index
    %get3A_68 = arith.constant 0 : index
    %get3A_69 = tpu.vector_load %arg5[%get3A_67, %get3A_68] {strides = array<i32>} : memref<64x16xf32, #tpu.memory_space<vmem>>, vector<16xf32>,
    %get3A_70 = arith.constant 17 : i32
    %get3A_71 = arith.index_cast %get3A_70 : i32 to index
    %get3A_72 = arith.constant 0 : index
    %get3A_73 = tpu.vector_load %arg5[%get3A_71, %get3A_72] {strides = array<i32>} : memref<64x16xf32, #tpu.memory_space<vmem>>, vector<16xf32>,
    %get3A_74 = arith.constant 18 : i32
    %get3A_75 = arith.index_cast %get3A_74 : i32 to index
    %get3A_76 = arith.constant 0 : index
    %get3A_77 = tpu.vector_load %arg5[%get3A_75, %get3A_76] {strides = array<i32>} : memref<64x16xf32, #tpu.memory_space<vmem>>, vector<16xf32>,
    %get3A_78 = arith.constant 19 : i32
    %get3A_79 = arith.index_cast %get3A_78 : i32 to index
    %get3A_80 = arith.constant 0 : index
    %get3A_81 = tpu.vector_load %arg5[%get3A_79, %get3A_80] {strides = array<i32>} : memref<64x16xf32, #tpu.memory_space<vmem>>, vector<16xf32>,
    %get3A_82 = arith.constant 20 : i32
    %get3A_83 = arith.index_cast %get3A_82 : i32 to index
    %get3A_84 = arith.constant 0 : index
    %get3A_85 = tpu.vector_load %arg5[%get3A_83, %get3A_84] {strides = array<i32>} : memref<64x16xf32, #tpu.memory_space<vmem>>, vector<16xf32>,
    %get3A_86 = arith.constant 21 : i32
    %get3A_87 = arith.index_cast %get3A_86 : i32 to index
    %get3A_88 = arith.constant 0 : index
    %get3A_89 = tpu.vector_load %arg5[%get3A_87, %get3A_88] {strides = array<i32>} : memref<64x16xf32, #tpu.memory_space<vmem>>, vector<16xf32>,
    %get3A_90 = arith.constant 22 : i32
    %get3A_91 = arith.index_cast %get3A_90 : i32 to index
    %get3A_92 = arith.constant 0 : index
    %get3A_93 = tpu.vector_load %arg5[%get3A_91, %get3A_92] {strides = array<i32>} : memref<64x16xf32, #tpu.memory_space<vmem>>, vector<16xf32>,
    %get3A_94 = arith.constant 23 : i32
    %get3A_95 = arith.index_cast %get3A_94 : i32 to index
    %get3A_96 = arith.constant 0 : index
    %get3A_97 = tpu.vector_load %arg5[%get3A_95, %get3A_96] {strides = array<i32>} : memref<64x16xf32, #tpu.memory_space<vmem>>, vector<16xf32>,
    %get3A_98 = arith.constant 24 : i32
    %get3A_99 = arith.index_cast %get3A_98 : i32 to index
    %get3A_100 = arith.constant 0 : index
    %get3A_101 = tpu.vector_load %arg5[%get3A_99, %get3A_100] {strides = array<i32>} : memref<64x16xf32, #tpu.memory_space<vmem>>, vector<16xf32>,
    %get3A_102 = arith.constant 25 : i32
    %get3A_103 = arith.index_cast %get3A_102 : i32 to index
    %get3A_104 = arith.constant 0 : index
    %get3A_105 = tpu.vector_load %arg5[%get3A_103, %get3A_104] {strides = array<i32>} : memref<64x16xf32, #tpu.memory_space<vmem>>, vector<16xf32>,
    %get3A_106 = arith.constant 26 : i32
    %get3A_107 = arith.index_cast %get3A_106 : i32 to index
    %get3A_108 = arith.constant 0 : index
    %get3A_109 = tpu.vector_load %arg5[%get3A_107, %get3A_108] {strides = array<i32>} : memref<64x16xf32, #tpu.memory_space<vmem>>, vector<16xf32>,
    %get3A_110 = arith.constant 27 : i32
    %get3A_111 = arith.index_cast %get3A_110 : i32 to index
    %get3A_112 = arith.constant 0 : index
    %get3A_113 = tpu.vector_load %arg5[%get3A_111, %get3A_112] {strides = array<i32>} : memref<64x16xf32, #tpu.memory_space<vmem>>, vector<16xf32>,
    %get3A_114 = arith.constant 28 : i32
    %get3A_115 = arith.index_cast %get3A_114 : i32 to index
    %get3A_116 = arith.constant 0 : index
    %get3A_117 = tpu.vector_load %arg5[%get3A_115, %get3A_116] {strides = array<i32>} : memref<64x16xf32, #tpu.memory_space<vmem>>, vector<16xf32>,
    %get3A_118 = arith.constant 29 : i32
    %get3A_119 = arith.index_cast %get3A_118 : i32 to index
    %get3A_120 = arith.constant 0 : index
    %get3A_121 = tpu.vector_load %arg5[%get3A_119, %get3A_120] {strides = array<i32>} : memref<64x16xf32, #tpu.memory_space<vmem>>, vector<16xf32>,
    %get3A_122 = arith.constant 30 : i32
    %get3A_123 = arith.index_cast %get3A_122 : i32 to index
    %get3A_124 = arith.constant 0 : index
    %get3A_125 = tpu.vector_load %arg5[%get3A_123, %get3A_124] {strides = array<i32>} : memref<64x16xf32, #tpu.memory_space<vmem>>, vector<16xf32>,
    %get3A_126 = arith.constant 31 : i32
    %get3A_127 = arith.index_cast %get3A_126 : i32 to index
    %get3A_128 = arith.constant 0 : index
    %get3A_129 = tpu.vector_load %arg5[%get3A_127, %get3A_128] {strides = array<i32>} : memref<64x16xf32, #tpu.memory_space<vmem>>, vector<16xf32>,
    %scan3A = arith.constant 0 : i32
    %scan3A_130 = arith.constant 0 : i32
    %scan3A_131 = arith.constant 32 : i32
    %scan3A_132 = arith.addi %scan3A_130, %scan3A_131 : i32
    %scan3A_133 = arith.constant 1 : i32
    scf.for %scan3A_311 = %scan3A_130 to %scan3A_132 step %scan3A_133  : i32 {
      %mul3A_312 = arith.constant 16 : i32
      %mul3A_313 = arith.muli %scan3A_311, %mul3A_312 : i32
      %get3A_314 = arith.index_cast %mul3A_313 : i32 to index
      %get3A_315 = tpu.vector_load %arg6[%get3A_314] {strides = array<i32>} : memref<512xi32, #tpu.memory_space<vmem>>, vector<16xi32>,
      %broadcast_in_dim3A = vector.shape_cast %get3A_315 : vector<16xi32> to vector<16x1xi32>
      %gather3A = vector.shape_cast %broadcast_in_dim3A : vector<16x1xi32> to vector<16xi32>
      %gather3A_316 = tpu.dynamic_gather %get3A_5[%gather3A] in [0] : vector<16xf32>, vector<16xi32> -> vector<16xf32>
      %mul3A_317 = arith.constant 16 : i32
      %mul3A_318 = arith.muli %scan3A_311, %mul3A_317 : i32
      %swap3A = arith.constant 0 : i32
      %swap3A_319 = arith.index_cast %swap3A : i32 to index
      %swap3A_320 = arith.index_cast %mul3A_318 : i32 to index
      %swap3A_321 = tpu.vector_load %arg7[%swap3A_319, %swap3A_320] {strides = array<i32>} : memref<64x512xf32, #tpu.memory_space<vmem>>, vector<16xf32>,
      tpu.vector_store %arg7[%swap3A_319, %swap3A_320], %gather3A_316 {strides = array<i32>} : memref<64x512xf32, #tpu.memory_space<vmem>>, vector<16xf32>,
      %broadcast_in_dim3A_322 = vector.shape_cast %get3A_315 : vector<16xi32> to vector<16x1xi32>
      %gather3A_323 = vector.shape_cast %broadcast_in_dim3A_322 : vector<16x1xi32> to vector<16xi32>
      %gather3A_324 = tpu.dynamic_gather %get3A_9[%gather3A_323] in [0] : vector<16xf32>, vector<16xi32> -> vector<16xf32>
      %mul3A_325 = arith.constant 16 : i32
      %mul3A_326 = arith.muli %scan3A_311, %mul3A_325 : i32
      %swap3A_327 = arith.constant 1 : i32
      %swap3A_328 = arith.index_cast %swap3A_327 : i32 to index
      %swap3A_329 = arith.index_cast %mul3A_326 : i32 to index
      %swap3A_330 = tpu.vector_load %arg7[%swap3A_328, %swap3A_329] {strides = array<i32>} : memref<64x512xf32, #tpu.memory_space<vmem>>, vector<16xf32>,
      tpu.vector_store %arg7[%swap3A_328, %swap3A_329], %gather3A_324 {strides = array<i32>} : memref<64x512xf32, #tpu.memory_space<vmem>>, vector<16xf32>,
      %broadcast_in_dim3A_331 = vector.shape_cast %get3A_315 : vector<16xi32> to vector<16x1xi32>
      %gather3A_332 = vector.shape_cast %broadcast_in_dim3A_331 : vector<16x1xi32> to vector<16xi32>
      %gather3A_333 = tpu.dynamic_gather %get3A_13[%gather3A_332] in [0] : vector<16xf32>, vector<16xi32> -> vector<16xf32>
      %mul3A_334 = arith.constant 16 : i32
      %mul3A_335 = arith.muli %scan3A_311, %mul3A_334 : i32
      %swap3A_336 = arith.constant 2 : i32
      %swap3A_337 = arith.index_cast %swap3A_336 : i32 to index
      %swap3A_338 = arith.index_cast %mul3A_335 : i32 to index
      %swap3A_339 = tpu.vector_load %arg7[%swap3A_337, %swap3A_338] {strides = array<i32>} : memref<64x512xf32, #tpu.memory_space<vmem>>, vector<16xf32>,
      tpu.vector_store %arg7[%swap3A_337, %swap3A_338], %gather3A_333 {strides = array<i32>} : memref<64x512xf32, #tpu.memory_space<vmem>>, vector<16xf32>,
      %broadcast_in_dim3A_340 = vector.shape_cast %get3A_315 : vector<16xi32> to vector<16x1xi32>
      %gather3A_341 = vector.shape_cast %broadcast_in_dim3A_340 : vector<16x1xi32> to vector<16xi32>
      %gather3A_342 = tpu.dynamic_gather %get3A_17[%gather3A_341] in [0] : vector<16xf32>, vector<16xi32> -> vector<16xf32>
      %mul3A_343 = arith.constant 16 : i32
      %mul3A_344 = arith.muli %scan3A_311, %mul3A_343 : i32
      %swap3A_345 = arith.constant 3 : i32
      %swap3A_346 = arith.index_cast %swap3A_345 : i32 to index
      %swap3A_347 = arith.index_cast %mul3A_344 : i32 to index
      %swap3A_348 = tpu.vector_load %arg7[%swap3A_346, %swap3A_347] {strides = array<i32>} : memref<64x512xf32, #tpu.memory_space<vmem>>, vector<16xf32>,
      tpu.vector_store %arg7[%swap3A_346, %swap3A_347], %gather3A_342 {strides = array<i32>} : memref<64x512xf32, #tpu.memory_space<vmem>>, vector<16xf32>,
      %broadcast_in_dim3A_349 = vector.shape_cast %get3A_315 : vector<16xi32> to vector<16x1xi32>
      %gather3A_350 = vector.shape_cast %broadcast_in_dim3A_349 : vector<16x1xi32> to vector<16xi32>
      %gather3A_351 = tpu.dynamic_gather %get3A_21[%gather3A_350] in [0] : vector<16xf32>, vector<16xi32> -> vector<16xf32>
      %mul3A_352 = arith.constant 16 : i32
      %mul3A_353 = arith.muli %scan3A_311, %mul3A_352 : i32
      %swap3A_354 = arith.constant 4 : i32
      %swap3A_355 = arith.index_cast %swap3A_354 : i32 to index
      %swap3A_356 = arith.index_cast %mul3A_353 : i32 to index
      %swap3A_357 = tpu.vector_load %arg7[%swap3A_355, %swap3A_356] {strides = array<i32>} : memref<64x512xf32, #tpu.memory_space<vmem>>, vector<16xf32>,
      tpu.vector_store %arg7[%swap3A_355, %swap3A_356], %gather3A_351 {strides = array<i32>} : memref<64x512xf32, #tpu.memory_space<vmem>>, vector<16xf32>,
      %broadcast_in_dim3A_358 = vector.shape_cast %get3A_315 : vector<16xi32> to vector<16x1xi32>
      %gather3A_359 = vector.shape_cast %broadcast_in_dim3A_358 : vector<16x1xi32> to vector<16xi32>
      %gather3A_360 = tpu.dynamic_gather %get3A_25[%gather3A_359] in [0] : vector<16xf32>, vector<16xi32> -> vector<16xf32>
      %mul3A_361 = arith.constant 16 : i32
      %mul3A_362 = arith.muli %scan3A_311, %mul3A_361 : i32
      %swap3A_363 = arith.constant 5 : i32
      %swap3A_364 = arith.index_cast %swap3A_363 : i32 to index
      %swap3A_365 = arith.index_cast %mul3A_362 : i32 to index
      %swap3A_366 = tpu.vector_load %arg7[%swap3A_364, %swap3A_365] {strides = array<i32>} : memref<64x512xf32, #tpu.memory_space<vmem>>, vector<16xf32>,
      tpu.vector_store %arg7[%swap3A_364, %swap3A_365], %gather3A_360 {strides = array<i32>} : memref<64x512xf32, #tpu.memory_space<vmem>>, vector<16xf32>,
      %broadcast_in_dim3A_367 = vector.shape_cast %get3A_315 : vector<16xi32> to vector<16x1xi32>
      %gather3A_368 = vector.shape_cast %broadcast_in_dim3A_367 : vector<16x1xi32> to vector<16xi32>
      %gather3A_369 = tpu.dynamic_gather %get3A_29[%gather3A_368] in [0] : vector<16xf32>, vector<16xi32> -> vector<16xf32>
      %mul3A_370 = arith.constant 16 : i32
      %mul3A_371 = arith.muli %scan3A_311, %mul3A_370 : i32
      %swap3A_372 = arith.constant 6 : i32
      %swap3A_373 = arith.index_cast %swap3A_372 : i32 to index
      %swap3A_374 = arith.index_cast %mul3A_371 : i32 to index
      %swap3A_375 = tpu.vector_load %arg7[%swap3A_373, %swap3A_374] {strides = array<i32>} : memref<64x512xf32, #tpu.memory_space<vmem>>, vector<16xf32>,
      tpu.vector_store %arg7[%swap3A_373, %swap3A_374], %gather3A_369 {strides = array<i32>} : memref<64x512xf32, #tpu.memory_space<vmem>>, vector<16xf32>,
      %broadcast_in_dim3A_376 = vector.shape_cast %get3A_315 : vector<16xi32> to vector<16x1xi32>
      %gather3A_377 = vector.shape_cast %broadcast_in_dim3A_376 : vector<16x1xi32> to vector<16xi32>
      %gather3A_378 = tpu.dynamic_gather %get3A_33[%gather3A_377] in [0] : vector<16xf32>, vector<16xi32> -> vector<16xf32>
      %mul3A_379 = arith.constant 16 : i32
      %mul3A_380 = arith.muli %scan3A_311, %mul3A_379 : i32
      %swap3A_381 = arith.constant 7 : i32
      %swap3A_382 = arith.index_cast %swap3A_381 : i32 to index
      %swap3A_383 = arith.index_cast %mul3A_380 : i32 to index
      %swap3A_384 = tpu.vector_load %arg7[%swap3A_382, %swap3A_383] {strides = array<i32>} : memref<64x512xf32, #tpu.memory_space<vmem>>, vector<16xf32>,
      tpu.vector_store %arg7[%swap3A_382, %swap3A_383], %gather3A_378 {strides = array<i32>} : memref<64x512xf32, #tpu.memory_space<vmem>>, vector<16xf32>,
      %broadcast_in_dim3A_385 = vector.shape_cast %get3A_315 : vector<16xi32> to vector<16x1xi32>
      %gather3A_386 = vector.shape_cast %broadcast_in_dim3A_385 : vector<16x1xi32> to vector<16xi32>
      %gather3A_387 = tpu.dynamic_gather %get3A_37[%gather3A_386] in [0] : vector<16xf32>, vector<16xi32> -> vector<16xf32>
      %mul3A_388 = arith.constant 16 : i32
      %mul3A_389 = arith.muli %scan3A_311, %mul3A_388 : i32
      %swap3A_390 = arith.constant 8 : i32
      %swap3A_391 = arith.index_cast %swap3A_390 : i32 to index
      %swap3A_392 = arith.index_cast %mul3A_389 : i32 to index
      %swap3A_393 = tpu.vector_load %arg7[%swap3A_391, %swap3A_392] {strides = array<i32>} : memref<64x512xf32, #tpu.memory_space<vmem>>, vector<16xf32>,
      tpu.vector_store %arg7[%swap3A_391, %swap3A_392], %gather3A_387 {strides = array<i32>} : memref<64x512xf32, #tpu.memory_space<vmem>>, vector<16xf32>,
      %broadcast_in_dim3A_394 = vector.shape_cast %get3A_315 : vector<16xi32> to vector<16x1xi32>
      %gather3A_395 = vector.shape_cast %broadcast_in_dim3A_394 : vector<16x1xi32> to vector<16xi32>
      %gather3A_396 = tpu.dynamic_gather %get3A_41[%gather3A_395] in [0] : vector<16xf32>, vector<16xi32> -> vector<16xf32>
      %mul3A_397 = arith.constant 16 : i32
      %mul3A_398 = arith.muli %scan3A_311, %mul3A_397 : i32
      %swap3A_399 = arith.constant 9 : i32
      %swap3A_400 = arith.index_cast %swap3A_399 : i32 to index
      %swap3A_401 = arith.index_cast %mul3A_398 : i32 to index
      %swap3A_402 = tpu.vector_load %arg7[%swap3A_400, %swap3A_401] {strides = array<i32>} : memref<64x512xf32, #tpu.memory_space<vmem>>, vector<16xf32>,
      tpu.vector_store %arg7[%swap3A_400, %swap3A_401], %gather3A_396 {strides = array<i32>} : memref<64x512xf32, #tpu.memory_space<vmem>>, vector<16xf32>,
      %broadcast_in_dim3A_403 = vector.shape_cast %get3A_315 : vector<16xi32> to vector<16x1xi32>
      %gather3A_404 = vector.shape_cast %broadcast_in_dim3A_403 : vector<16x1xi32> to vector<16xi32>
      %gather3A_405 = tpu.dynamic_gather %get3A_45[%gather3A_404] in [0] : vector<16xf32>, vector<16xi32> -> vector<16xf32>
      %mul3A_406 = arith.constant 16 : i32
      %mul3A_407 = arith.muli %scan3A_311, %mul3A_406 : i32
      %swap3A_408 = arith.constant 10 : i32
      %swap3A_409 = arith.index_cast %swap3A_408 : i32 to index
      %swap3A_410 = arith.index_cast %mul3A_407 : i32 to index
      %swap3A_411 = tpu.vector_load %arg7[%swap3A_409, %swap3A_410] {strides = array<i32>} : memref<64x512xf32, #tpu.memory_space<vmem>>, vector<16xf32>,
      tpu.vector_store %arg7[%swap3A_409, %swap3A_410], %gather3A_405 {strides = array<i32>} : memref<64x512xf32, #tpu.memory_space<vmem>>, vector<16xf32>,
      %broadcast_in_dim3A_412 = vector.shape_cast %get3A_315 : vector<16xi32> to vector<16x1xi32>
      %gather3A_413 = vector.shape_cast %broadcast_in_dim3A_412 : vector<16x1xi32> to vector<16xi32>
      %gather3A_414 = tpu.dynamic_gather %get3A_49[%gather3A_413] in [0] : vector<16xf32>, vector<16xi32> -> vector<16xf32>
      %mul3A_415 = arith.constant 16 : i32
      %mul3A_416 = arith.muli %scan3A_311, %mul3A_415 : i32
      %swap3A_417 = arith.constant 11 : i32
      %swap3A_418 = arith.index_cast %swap3A_417 : i32 to index
      %swap3A_419 = arith.index_cast %mul3A_416 : i32 to index
      %swap3A_420 = tpu.vector_load %arg7[%swap3A_418, %swap3A_419] {strides = array<i32>} : memref<64x512xf32, #tpu.memory_space<vmem>>, vector<16xf32>,
      tpu.vector_store %arg7[%swap3A_418, %swap3A_419], %gather3A_414 {strides = array<i32>} : memref<64x512xf32, #tpu.memory_space<vmem>>, vector<16xf32>,
      %broadcast_in_dim3A_421 = vector.shape_cast %get3A_315 : vector<16xi32> to vector<16x1xi32>
      %gather3A_422 = vector.shape_cast %broadcast_in_dim3A_421 : vector<16x1xi32> to vector<16xi32>
      %gather3A_423 = tpu.dynamic_gather %get3A_53[%gather3A_422] in [0] : vector<16xf32>, vector<16xi32> -> vector<16xf32>
      %mul3A_424 = arith.constant 16 : i32
      %mul3A_425 = arith.muli %scan3A_311, %mul3A_424 : i32
      %swap3A_426 = arith.constant 12 : i32
      %swap3A_427 = arith.index_cast %swap3A_426 : i32 to index
      %swap3A_428 = arith.index_cast %mul3A_425 : i32 to index
      %swap3A_429 = tpu.vector_load %arg7[%swap3A_427, %swap3A_428] {strides = array<i32>} : memref<64x512xf32, #tpu.memory_space<vmem>>, vector<16xf32>,
      tpu.vector_store %arg7[%swap3A_427, %swap3A_428], %gather3A_423 {strides = array<i32>} : memref<64x512xf32, #tpu.memory_space<vmem>>, vector<16xf32>,
      %broadcast_in_dim3A_430 = vector.shape_cast %get3A_315 : vector<16xi32> to vector<16x1xi32>
      %gather3A_431 = vector.shape_cast %broadcast_in_dim3A_430 : vector<16x1xi32> to vector<16xi32>
      %gather3A_432 = tpu.dynamic_gather %get3A_57[%gather3A_431] in [0] : vector<16xf32>, vector<16xi32> -> vector<16xf32>
      %mul3A_433 = arith.constant 16 : i32
      %mul3A_434 = arith.muli %scan3A_311, %mul3A_433 : i32
      %swap3A_435 = arith.constant 13 : i32
      %swap3A_436 = arith.index_cast %swap3A_435 : i32 to index
      %swap3A_437 = arith.index_cast %mul3A_434 : i32 to index
      %swap3A_438 = tpu.vector_load %arg7[%swap3A_436, %swap3A_437] {strides = array<i32>} : memref<64x512xf32, #tpu.memory_space<vmem>>, vector<16xf32>,
      tpu.vector_store %arg7[%swap3A_436, %swap3A_437], %gather3A_432 {strides = array<i32>} : memref<64x512xf32, #tpu.memory_space<vmem>>, vector<16xf32>,
      %broadcast_in_dim3A_439 = vector.shape_cast %get3A_315 : vector<16xi32> to vector<16x1xi32>
      %gather3A_440 = vector.shape_cast %broadcast_in_dim3A_439 : vector<16x1xi32> to vector<16xi32>
      %gather3A_441 = tpu.dynamic_gather %get3A_61[%gather3A_440] in [0] : vector<16xf32>, vector<16xi32> -> vector<16xf32>
      %mul3A_442 = arith.constant 16 : i32
      %mul3A_443 = arith.muli %scan3A_311, %mul3A_442 : i32
      %swap3A_444 = arith.constant 14 : i32
      %swap3A_445 = arith.index_cast %swap3A_444 : i32 to index
      %swap3A_446 = arith.index_cast %mul3A_443 : i32 to index
      %swap3A_447 = tpu.vector_load %arg7[%swap3A_445, %swap3A_446] {strides = array<i32>} : memref<64x512xf32, #tpu.memory_space<vmem>>, vector<16xf32>,
      tpu.vector_store %arg7[%swap3A_445, %swap3A_446], %gather3A_441 {strides = array<i32>} : memref<64x512xf32, #tpu.memory_space<vmem>>, vector<16xf32>,
      %broadcast_in_dim3A_448 = vector.shape_cast %get3A_315 : vector<16xi32> to vector<16x1xi32>
      %gather3A_449 = vector.shape_cast %broadcast_in_dim3A_448 : vector<16x1xi32> to vector<16xi32>
      %gather3A_450 = tpu.dynamic_gather %get3A_65[%gather3A_449] in [0] : vector<16xf32>, vector<16xi32> -> vector<16xf32>
      %mul3A_451 = arith.constant 16 : i32
      %mul3A_452 = arith.muli %scan3A_311, %mul3A_451 : i32
      %swap3A_453 = arith.constant 15 : i32
      %swap3A_454 = arith.index_cast %swap3A_453 : i32 to index
      %swap3A_455 = arith.index_cast %mul3A_452 : i32 to index
      %swap3A_456 = tpu.vector_load %arg7[%swap3A_454, %swap3A_455] {strides = array<i32>} : memref<64x512xf32, #tpu.memory_space<vmem>>, vector<16xf32>,
      tpu.vector_store %arg7[%swap3A_454, %swap3A_455], %gather3A_450 {strides = array<i32>} : memref<64x512xf32, #tpu.memory_space<vmem>>, vector<16xf32>,
      %broadcast_in_dim3A_457 = vector.shape_cast %get3A_315 : vector<16xi32> to vector<16x1xi32>
      %gather3A_458 = vector.shape_cast %broadcast_in_dim3A_457 : vector<16x1xi32> to vector<16xi32>
      %gather3A_459 = tpu.dynamic_gather %get3A_69[%gather3A_458] in [0] : vector<16xf32>, vector<16xi32> -> vector<16xf32>
      %mul3A_460 = arith.constant 16 : i32
      %mul3A_461 = arith.muli %scan3A_311, %mul3A_460 : i32
      %swap3A_462 = arith.constant 16 : i32
      %swap3A_463 = arith.index_cast %swap3A_462 : i32 to index
      %swap3A_464 = arith.index_cast %mul3A_461 : i32 to index
      %swap3A_465 = tpu.vector_load %arg7[%swap3A_463, %swap3A_464] {strides = array<i32>} : memref<64x512xf32, #tpu.memory_space<vmem>>, vector<16xf32>,
      tpu.vector_store %arg7[%swap3A_463, %swap3A_464], %gather3A_459 {strides = array<i32>} : memref<64x512xf32, #tpu.memory_space<vmem>>, vector<16xf32>,
      %broadcast_in_dim3A_466 = vector.shape_cast %get3A_315 : vector<16xi32> to vector<16x1xi32>
      %gather3A_467 = vector.shape_cast %broadcast_in_dim3A_466 : vector<16x1xi32> to vector<16xi32>
      %gather3A_468 = tpu.dynamic_gather %get3A_73[%gather3A_467] in [0] : vector<16xf32>, vector<16xi32> -> vector<16xf32>
      %mul3A_469 = arith.constant 16 : i32
      %mul3A_470 = arith.muli %scan3A_311, %mul3A_469 : i32
      %swap3A_471 = arith.constant 17 : i32
      %swap3A_472 = arith.index_cast %swap3A_471 : i32 to index
      %swap3A_473 = arith.index_cast %mul3A_470 : i32 to index
      %swap3A_474 = tpu.vector_load %arg7[%swap3A_472, %swap3A_473] {strides = array<i32>} : memref<64x512xf32, #tpu.memory_space<vmem>>, vector<16xf32>,
      tpu.vector_store %arg7[%swap3A_472, %swap3A_473], %gather3A_468 {strides = array<i32>} : memref<64x512xf32, #tpu.memory_space<vmem>>, vector<16xf32>,
      %broadcast_in_dim3A_475 = vector.shape_cast %get3A_315 : vector<16xi32> to vector<16x1xi32>
      %gather3A_476 = vector.shape_cast %broadcast_in_dim3A_475 : vector<16x1xi32> to vector<16xi32>
      %gather3A_477 = tpu.dynamic_gather %get3A_77[%gather3A_476] in [0] : vector<16xf32>, vector<16xi32> -> vector<16xf32>
      %mul3A_478 = arith.constant 16 : i32
      %mul3A_479 = arith.muli %scan3A_311, %mul3A_478 : i32
      %swap3A_480 = arith.constant 18 : i32
      %swap3A_481 = arith.index_cast %swap3A_480 : i32 to index
      %swap3A_482 = arith.index_cast %mul3A_479 : i32 to index
      %swap3A_483 = tpu.vector_load %arg7[%swap3A_481, %swap3A_482] {strides = array<i32>} : memref<64x512xf32, #tpu.memory_space<vmem>>, vector<16xf32>,
      tpu.vector_store %arg7[%swap3A_481, %swap3A_482], %gather3A_477 {strides = array<i32>} : memref<64x512xf32, #tpu.memory_space<vmem>>, vector<16xf32>,
      %broadcast_in_dim3A_484 = vector.shape_cast %get3A_315 : vector<16xi32> to vector<16x1xi32>
      %gather3A_485 = vector.shape_cast %broadcast_in_dim3A_484 : vector<16x1xi32> to vector<16xi32>
      %gather3A_486 = tpu.dynamic_gather %get3A_81[%gather3A_485] in [0] : vector<16xf32>, vector<16xi32> -> vector<16xf32>
      %mul3A_487 = arith.constant 16 : i32
      %mul3A_488 = arith.muli %scan3A_311, %mul3A_487 : i32
      %swap3A_489 = arith.constant 19 : i32
      %swap3A_490 = arith.index_cast %swap3A_489 : i32 to index
      %swap3A_491 = arith.index_cast %mul3A_488 : i32 to index
      %swap3A_492 = tpu.vector_load %arg7[%swap3A_490, %swap3A_491] {strides = array<i32>} : memref<64x512xf32, #tpu.memory_space<vmem>>, vector<16xf32>,
      tpu.vector_store %arg7[%swap3A_490, %swap3A_491], %gather3A_486 {strides = array<i32>} : memref<64x512xf32, #tpu.memory_space<vmem>>, vector<16xf32>,
      %broadcast_in_dim3A_493 = vector.shape_cast %get3A_315 : vector<16xi32> to vector<16x1xi32>
      %gather3A_494 = vector.shape_cast %broadcast_in_dim3A_493 : vector<16x1xi32> to vector<16xi32>
      %gather3A_495 = tpu.dynamic_gather %get3A_85[%gather3A_494] in [0] : vector<16xf32>, vector<16xi32> -> vector<16xf32>
      %mul3A_496 = arith.constant 16 : i32
      %mul3A_497 = arith.muli %scan3A_311, %mul3A_496 : i32
      %swap3A_498 = arith.constant 20 : i32
      %swap3A_499 = arith.index_cast %swap3A_498 : i32 to index
      %swap3A_500 = arith.index_cast %mul3A_497 : i32 to index
      %swap3A_501 = tpu.vector_load %arg7[%swap3A_499, %swap3A_500] {strides = array<i32>} : memref<64x512xf32, #tpu.memory_space<vmem>>, vector<16xf32>,
      tpu.vector_store %arg7[%swap3A_499, %swap3A_500], %gather3A_495 {strides = array<i32>} : memref<64x512xf32, #tpu.memory_space<vmem>>, vector<16xf32>,
      %broadcast_in_dim3A_502 = vector.shape_cast %get3A_315 : vector<16xi32> to vector<16x1xi32>
      %gather3A_503 = vector.shape_cast %broadcast_in_dim3A_502 : vector<16x1xi32> to vector<16xi32>
      %gather3A_504 = tpu.dynamic_gather %get3A_89[%gather3A_503] in [0] : vector<16xf32>, vector<16xi32> -> vector<16xf32>
      %mul3A_505 = arith.constant 16 : i32
      %mul3A_506 = arith.muli %scan3A_311, %mul3A_505 : i32
      %swap3A_507 = arith.constant 21 : i32
      %swap3A_508 = arith.index_cast %swap3A_507 : i32 to index
      %swap3A_509 = arith.index_cast %mul3A_506 : i32 to index
      %swap3A_510 = tpu.vector_load %arg7[%swap3A_508, %swap3A_509] {strides = array<i32>} : memref<64x512xf32, #tpu.memory_space<vmem>>, vector<16xf32>,
      tpu.vector_store %arg7[%swap3A_508, %swap3A_509], %gather3A_504 {strides = array<i32>} : memref<64x512xf32, #tpu.memory_space<vmem>>, vector<16xf32>,
      %broadcast_in_dim3A_511 = vector.shape_cast %get3A_315 : vector<16xi32> to vector<16x1xi32>
      %gather3A_512 = vector.shape_cast %broadcast_in_dim3A_511 : vector<16x1xi32> to vector<16xi32>
      %gather3A_513 = tpu.dynamic_gather %get3A_93[%gather3A_512] in [0] : vector<16xf32>, vector<16xi32> -> vector<16xf32>
      %mul3A_514 = arith.constant 16 : i32
      %mul3A_515 = arith.muli %scan3A_311, %mul3A_514 : i32
      %swap3A_516 = arith.constant 22 : i32
      %swap3A_517 = arith.index_cast %swap3A_516 : i32 to index
      %swap3A_518 = arith.index_cast %mul3A_515 : i32 to index
      %swap3A_519 = tpu.vector_load %arg7[%swap3A_517, %swap3A_518] {strides = array<i32>} : memref<64x512xf32, #tpu.memory_space<vmem>>, vector<16xf32>,
      tpu.vector_store %arg7[%swap3A_517, %swap3A_518], %gather3A_513 {strides = array<i32>} : memref<64x512xf32, #tpu.memory_space<vmem>>, vector<16xf32>,
      %broadcast_in_dim3A_520 = vector.shape_cast %get3A_315 : vector<16xi32> to vector<16x1xi32>
      %gather3A_521 = vector.shape_cast %broadcast_in_dim3A_520 : vector<16x1xi32> to vector<16xi32>
      %gather3A_522 = tpu.dynamic_gather %get3A_97[%gather3A_521] in [0] : vector<16xf32>, vector<16xi32> -> vector<16xf32>
      %mul3A_523 = arith.constant 16 : i32
      %mul3A_524 = arith.muli %scan3A_311, %mul3A_523 : i32
      %swap3A_525 = arith.constant 23 : i32
      %swap3A_526 = arith.index_cast %swap3A_525 : i32 to index
      %swap3A_527 = arith.index_cast %mul3A_524 : i32 to index
      %swap3A_528 = tpu.vector_load %arg7[%swap3A_526, %swap3A_527] {strides = array<i32>} : memref<64x512xf32, #tpu.memory_space<vmem>>, vector<16xf32>,
      tpu.vector_store %arg7[%swap3A_526, %swap3A_527], %gather3A_522 {strides = array<i32>} : memref<64x512xf32, #tpu.memory_space<vmem>>, vector<16xf32>,
      %broadcast_in_dim3A_529 = vector.shape_cast %get3A_315 : vector<16xi32> to vector<16x1xi32>
      %gather3A_530 = vector.shape_cast %broadcast_in_dim3A_529 : vector<16x1xi32> to vector<16xi32>
      %gather3A_531 = tpu.dynamic_gather %get3A_101[%gather3A_530] in [0] : vector<16xf32>, vector<16xi32> -> vector<16xf32>
      %mul3A_532 = arith.constant 16 : i32
      %mul3A_533 = arith.muli %scan3A_311, %mul3A_532 : i32
      %swap3A_534 = arith.constant 24 : i32
      %swap3A_535 = arith.index_cast %swap3A_534 : i32 to index
      %swap3A_536 = arith.index_cast %mul3A_533 : i32 to index
      %swap3A_537 = tpu.vector_load %arg7[%swap3A_535, %swap3A_536] {strides = array<i32>} : memref<64x512xf32, #tpu.memory_space<vmem>>, vector<16xf32>,
      tpu.vector_store %arg7[%swap3A_535, %swap3A_536], %gather3A_531 {strides = array<i32>} : memref<64x512xf32, #tpu.memory_space<vmem>>, vector<16xf32>,
      %broadcast_in_dim3A_538 = vector.shape_cast %get3A_315 : vector<16xi32> to vector<16x1xi32>
      %gather3A_539 = vector.shape_cast %broadcast_in_dim3A_538 : vector<16x1xi32> to vector<16xi32>
      %gather3A_540 = tpu.dynamic_gather %get3A_105[%gather3A_539] in [0] : vector<16xf32>, vector<16xi32> -> vector<16xf32>
      %mul3A_541 = arith.constant 16 : i32
      %mul3A_542 = arith.muli %scan3A_311, %mul3A_541 : i32
      %swap3A_543 = arith.constant 25 : i32
      %swap3A_544 = arith.index_cast %swap3A_543 : i32 to index
      %swap3A_545 = arith.index_cast %mul3A_542 : i32 to index
      %swap3A_546 = tpu.vector_load %arg7[%swap3A_544, %swap3A_545] {strides = array<i32>} : memref<64x512xf32, #tpu.memory_space<vmem>>, vector<16xf32>,
      tpu.vector_store %arg7[%swap3A_544, %swap3A_545], %gather3A_540 {strides = array<i32>} : memref<64x512xf32, #tpu.memory_space<vmem>>, vector<16xf32>,
      %broadcast_in_dim3A_547 = vector.shape_cast %get3A_315 : vector<16xi32> to vector<16x1xi32>
      %gather3A_548 = vector.shape_cast %broadcast_in_dim3A_547 : vector<16x1xi32> to vector<16xi32>
      %gather3A_549 = tpu.dynamic_gather %get3A_109[%gather3A_548] in [0] : vector<16xf32>, vector<16xi32> -> vector<16xf32>
      %mul3A_550 = arith.constant 16 : i32
      %mul3A_551 = arith.muli %scan3A_311, %mul3A_550 : i32
      %swap3A_552 = arith.constant 26 : i32
      %swap3A_553 = arith.index_cast %swap3A_552 : i32 to index
      %swap3A_554 = arith.index_cast %mul3A_551 : i32 to index
      %swap3A_555 = tpu.vector_load %arg7[%swap3A_553, %swap3A_554] {strides = array<i32>} : memref<64x512xf32, #tpu.memory_space<vmem>>, vector<16xf32>,
      tpu.vector_store %arg7[%swap3A_553, %swap3A_554], %gather3A_549 {strides = array<i32>} : memref<64x512xf32, #tpu.memory_space<vmem>>, vector<16xf32>,
      %broadcast_in_dim3A_556 = vector.shape_cast %get3A_315 : vector<16xi32> to vector<16x1xi32>
      %gather3A_557 = vector.shape_cast %broadcast_in_dim3A_556 : vector<16x1xi32> to vector<16xi32>
      %gather3A_558 = tpu.dynamic_gather %get3A_113[%gather3A_557] in [0] : vector<16xf32>, vector<16xi32> -> vector<16xf32>
      %mul3A_559 = arith.constant 16 : i32
      %mul3A_560 = arith.muli %scan3A_311, %mul3A_559 : i32
      %swap3A_561 = arith.constant 27 : i32
      %swap3A_562 = arith.index_cast %swap3A_561 : i32 to index
      %swap3A_563 = arith.index_cast %mul3A_560 : i32 to index
      %swap3A_564 = tpu.vector_load %arg7[%swap3A_562, %swap3A_563] {strides = array<i32>} : memref<64x512xf32, #tpu.memory_space<vmem>>, vector<16xf32>,
      tpu.vector_store %arg7[%swap3A_562, %swap3A_563], %gather3A_558 {strides = array<i32>} : memref<64x512xf32, #tpu.memory_space<vmem>>, vector<16xf32>,
      %broadcast_in_dim3A_565 = vector.shape_cast %get3A_315 : vector<16xi32> to vector<16x1xi32>
      %gather3A_566 = vector.shape_cast %broadcast_in_dim3A_565 : vector<16x1xi32> to vector<16xi32>
      %gather3A_567 = tpu.dynamic_gather %get3A_117[%gather3A_566] in [0] : vector<16xf32>, vector<16xi32> -> vector<16xf32>
      %mul3A_568 = arith.constant 16 : i32
      %mul3A_569 = arith.muli %scan3A_311, %mul3A_568 : i32
      %swap3A_570 = arith.constant 28 : i32
      %swap3A_571 = arith.index_cast %swap3A_570 : i32 to index
      %swap3A_572 = arith.index_cast %mul3A_569 : i32 to index
      %swap3A_573 = tpu.vector_load %arg7[%swap3A_571, %swap3A_572] {strides = array<i32>} : memref<64x512xf32, #tpu.memory_space<vmem>>, vector<16xf32>,
      tpu.vector_store %arg7[%swap3A_571, %swap3A_572], %gather3A_567 {strides = array<i32>} : memref<64x512xf32, #tpu.memory_space<vmem>>, vector<16xf32>,
      %broadcast_in_dim3A_574 = vector.shape_cast %get3A_315 : vector<16xi32> to vector<16x1xi32>
      %gather3A_575 = vector.shape_cast %broadcast_in_dim3A_574 : vector<16x1xi32> to vector<16xi32>
      %gather3A_576 = tpu.dynamic_gather %get3A_121[%gather3A_575] in [0] : vector<16xf32>, vector<16xi32> -> vector<16xf32>
      %mul3A_577 = arith.constant 16 : i32
      %mul3A_578 = arith.muli %scan3A_311, %mul3A_577 : i32
      %swap3A_579 = arith.constant 29 : i32
      %swap3A_580 = arith.index_cast %swap3A_579 : i32 to index
      %swap3A_581 = arith.index_cast %mul3A_578 : i32 to index
      %swap3A_582 = tpu.vector_load %arg7[%swap3A_580, %swap3A_581] {strides = array<i32>} : memref<64x512xf32, #tpu.memory_space<vmem>>, vector<16xf32>,
      tpu.vector_store %arg7[%swap3A_580, %swap3A_581], %gather3A_576 {strides = array<i32>} : memref<64x512xf32, #tpu.memory_space<vmem>>, vector<16xf32>,
      %broadcast_in_dim3A_583 = vector.shape_cast %get3A_315 : vector<16xi32> to vector<16x1xi32>
      %gather3A_584 = vector.shape_cast %broadcast_in_dim3A_583 : vector<16x1xi32> to vector<16xi32>
      %gather3A_585 = tpu.dynamic_gather %get3A_125[%gather3A_584] in [0] : vector<16xf32>, vector<16xi32> -> vector<16xf32>
      %mul3A_586 = arith.constant 16 : i32
      %mul3A_587 = arith.muli %scan3A_311, %mul3A_586 : i32
      %swap3A_588 = arith.constant 30 : i32
      %swap3A_589 = arith.index_cast %swap3A_588 : i32 to index
      %swap3A_590 = arith.index_cast %mul3A_587 : i32 to index
      %swap3A_591 = tpu.vector_load %arg7[%swap3A_589, %swap3A_590] {strides = array<i32>} : memref<64x512xf32, #tpu.memory_space<vmem>>, vector<16xf32>,
      tpu.vector_store %arg7[%swap3A_589, %swap3A_590], %gather3A_585 {strides = array<i32>} : memref<64x512xf32, #tpu.memory_space<vmem>>, vector<16xf32>,
      %broadcast_in_dim3A_592 = vector.shape_cast %get3A_315 : vector<16xi32> to vector<16x1xi32>
      %gather3A_593 = vector.shape_cast %broadcast_in_dim3A_592 : vector<16x1xi32> to vector<16xi32>
      %gather3A_594 = tpu.dynamic_gather %get3A_129[%gather3A_593] in [0] : vector<16xf32>, vector<16xi32> -> vector<16xf32>
      %mul3A_595 = arith.constant 16 : i32
      %mul3A_596 = arith.muli %scan3A_311, %mul3A_595 : i32
      %swap3A_597 = arith.constant 31 : i32
      %swap3A_598 = arith.index_cast %swap3A_597 : i32 to index
      %swap3A_599 = arith.index_cast %mul3A_596 : i32 to index
      %swap3A_600 = tpu.vector_load %arg7[%swap3A_598, %swap3A_599] {strides = array<i32>} : memref<64x512xf32, #tpu.memory_space<vmem>>, vector<16xf32>,
      tpu.vector_store %arg7[%swap3A_598, %swap3A_599], %gather3A_594 {strides = array<i32>} : memref<64x512xf32, #tpu.memory_space<vmem>>, vector<16xf32>,
    }
    %scan3A_134 = arith.constant 32 : i32
    %mul3A_135 = arith.constant 512 : i32
    %mul3A_136 = arith.muli %add3A, %mul3A_135 : i32
    %dma_start3A = arith.constant 0 : i32
    %dma_start3A_137 = arith.constant 0 : i32
    %dma_start3A_138 = tpu.memref_slice %arg7[%dma_start3A, %dma_start3A_137] : memref<64x512xf32, #tpu.memory_space<vmem>> -> memref<32x512xf32, #tpu.memory_space<vmem>>
    %dma_start3A_139 = arith.constant 0 : i32
    %dma_start3A_140 = tpu.memref_slice %arg4[%dma_start3A_139, %mul3A_136] : memref<64x16384xf32, #tpu.memory_space<hbm>> -> memref<32x512xf32, #tpu.memory_space<hbm>>
    %dma_start3A_141 = arith.constant 0 : i32
    %dma_start3A_142 = tpu.memref_slice %arg4[%dma_start3A_141, %mul3A_136] : memref<64x16384xf32, #tpu.memory_space<hbm>> -> memref<32x512xf32, #tpu.memory_space<hbm>>
    %dma_start3A_143 = arith.constant 0 : i32
    %dma_start3A_144 = arith.constant 0 : i32
    %dma_start3A_145 = tpu.memref_slice %arg7[%dma_start3A_143, %dma_start3A_144] : memref<64x512xf32, #tpu.memory_space<vmem>> -> memref<32x512xf32, #tpu.memory_space<vmem>>
    tpu.enqueue_dma source(%dma_start3A_145 : memref<32x512xf32, #tpu.memory_space<vmem>>) target(%dma_start3A_142 : memref<32x512xf32, #tpu.memory_space<hbm>>) target_semaphore(%arg8 : memref<!tpu.dma_semaphore, #tpu.memory_space<semaphore_mem>>)
    %get3A_146 = arith.constant 32 : i32
    %get3A_147 = arith.index_cast %get3A_146 : i32 to index
    %get3A_148 = arith.constant 0 : index
    %get3A_149 = tpu.vector_load %arg5[%get3A_147, %get3A_148] {strides = array<i32>} : memref<64x16xf32, #tpu.memory_space<vmem>>, vector<16xf32>,
    %get3A_150 = arith.constant 33 : i32
    %get3A_151 = arith.index_cast %get3A_150 : i32 to index
    %get3A_152 = arith.constant 0 : index
    %get3A_153 = tpu.vector_load %arg5[%get3A_151, %get3A_152] {strides = array<i32>} : memref<64x16xf32, #tpu.memory_space<vmem>>, vector<16xf32>,
    %get3A_154 = arith.constant 34 : i32
    %get3A_155 = arith.index_cast %get3A_154 : i32 to index
    %get3A_156 = arith.constant 0 : index
    %get3A_157 = tpu.vector_load %arg5[%get3A_155, %get3A_156] {strides = array<i32>} : memref<64x16xf32, #tpu.memory_space<vmem>>, vector<16xf32>,
    %get3A_158 = arith.constant 35 : i32
    %get3A_159 = arith.index_cast %get3A_158 : i32 to index
    %get3A_160 = arith.constant 0 : index
    %get3A_161 = tpu.vector_load %arg5[%get3A_159, %get3A_160] {strides = array<i32>} : memref<64x16xf32, #tpu.memory_space<vmem>>, vector<16xf32>,
    %get3A_162 = arith.constant 36 : i32
    %get3A_163 = arith.index_cast %get3A_162 : i32 to index
    %get3A_164 = arith.constant 0 : index
    %get3A_165 = tpu.vector_load %arg5[%get3A_163, %get3A_164] {strides = array<i32>} : memref<64x16xf32, #tpu.memory_space<vmem>>, vector<16xf32>,
    %get3A_166 = arith.constant 37 : i32
    %get3A_167 = arith.index_cast %get3A_166 : i32 to index
    %get3A_168 = arith.constant 0 : index
    %get3A_169 = tpu.vector_load %arg5[%get3A_167, %get3A_168] {strides = array<i32>} : memref<64x16xf32, #tpu.memory_space<vmem>>, vector<16xf32>,
    %get3A_170 = arith.constant 38 : i32
    %get3A_171 = arith.index_cast %get3A_170 : i32 to index
    %get3A_172 = arith.constant 0 : index
    %get3A_173 = tpu.vector_load %arg5[%get3A_171, %get3A_172] {strides = array<i32>} : memref<64x16xf32, #tpu.memory_space<vmem>>, vector<16xf32>,
    %get3A_174 = arith.constant 39 : i32
    %get3A_175 = arith.index_cast %get3A_174 : i32 to index
    %get3A_176 = arith.constant 0 : index
    %get3A_177 = tpu.vector_load %arg5[%get3A_175, %get3A_176] {strides = array<i32>} : memref<64x16xf32, #tpu.memory_space<vmem>>, vector<16xf32>,
    %get3A_178 = arith.constant 40 : i32
    %get3A_179 = arith.index_cast %get3A_178 : i32 to index
    %get3A_180 = arith.constant 0 : index
    %get3A_181 = tpu.vector_load %arg5[%get3A_179, %get3A_180] {strides = array<i32>} : memref<64x16xf32, #tpu.memory_space<vmem>>, vector<16xf32>,
    %get3A_182 = arith.constant 41 : i32
    %get3A_183 = arith.index_cast %get3A_182 : i32 to index
    %get3A_184 = arith.constant 0 : index
    %get3A_185 = tpu.vector_load %arg5[%get3A_183, %get3A_184] {strides = array<i32>} : memref<64x16xf32, #tpu.memory_space<vmem>>, vector<16xf32>,
    %get3A_186 = arith.constant 42 : i32
    %get3A_187 = arith.index_cast %get3A_186 : i32 to index
    %get3A_188 = arith.constant 0 : index
    %get3A_189 = tpu.vector_load %arg5[%get3A_187, %get3A_188] {strides = array<i32>} : memref<64x16xf32, #tpu.memory_space<vmem>>, vector<16xf32>,
    %get3A_190 = arith.constant 43 : i32
    %get3A_191 = arith.index_cast %get3A_190 : i32 to index
    %get3A_192 = arith.constant 0 : index
    %get3A_193 = tpu.vector_load %arg5[%get3A_191, %get3A_192] {strides = array<i32>} : memref<64x16xf32, #tpu.memory_space<vmem>>, vector<16xf32>,
    %get3A_194 = arith.constant 44 : i32
    %get3A_195 = arith.index_cast %get3A_194 : i32 to index
    %get3A_196 = arith.constant 0 : index
    %get3A_197 = tpu.vector_load %arg5[%get3A_195, %get3A_196] {strides = array<i32>} : memref<64x16xf32, #tpu.memory_space<vmem>>, vector<16xf32>,
    %get3A_198 = arith.constant 45 : i32
    %get3A_199 = arith.index_cast %get3A_198 : i32 to index
    %get3A_200 = arith.constant 0 : index
    %get3A_201 = tpu.vector_load %arg5[%get3A_199, %get3A_200] {strides = array<i32>} : memref<64x16xf32, #tpu.memory_space<vmem>>, vector<16xf32>,
    %get3A_202 = arith.constant 46 : i32
    %get3A_203 = arith.index_cast %get3A_202 : i32 to index
    %get3A_204 = arith.constant 0 : index
    %get3A_205 = tpu.vector_load %arg5[%get3A_203, %get3A_204] {strides = array<i32>} : memref<64x16xf32, #tpu.memory_space<vmem>>, vector<16xf32>,
    %get3A_206 = arith.constant 47 : i32
    %get3A_207 = arith.index_cast %get3A_206 : i32 to index
    %get3A_208 = arith.constant 0 : index
    %get3A_209 = tpu.vector_load %arg5[%get3A_207, %get3A_208] {strides = array<i32>} : memref<64x16xf32, #tpu.memory_space<vmem>>, vector<16xf32>,
    %get3A_210 = arith.constant 48 : i32
    %get3A_211 = arith.index_cast %get3A_210 : i32 to index
    %get3A_212 = arith.constant 0 : index
    %get3A_213 = tpu.vector_load %arg5[%get3A_211, %get3A_212] {strides = array<i32>} : memref<64x16xf32, #tpu.memory_space<vmem>>, vector<16xf32>,
    %get3A_214 = arith.constant 49 : i32
    %get3A_215 = arith.index_cast %get3A_214 : i32 to index
    %get3A_216 = arith.constant 0 : index
    %get3A_217 = tpu.vector_load %arg5[%get3A_215, %get3A_216] {strides = array<i32>} : memref<64x16xf32, #tpu.memory_space<vmem>>, vector<16xf32>,
    %get3A_218 = arith.constant 50 : i32
    %get3A_219 = arith.index_cast %get3A_218 : i32 to index
    %get3A_220 = arith.constant 0 : index
    %get3A_221 = tpu.vector_load %arg5[%get3A_219, %get3A_220] {strides = array<i32>} : memref<64x16xf32, #tpu.memory_space<vmem>>, vector<16xf32>,
    %get3A_222 = arith.constant 51 : i32
    %get3A_223 = arith.index_cast %get3A_222 : i32 to index
    %get3A_224 = arith.constant 0 : index
    %get3A_225 = tpu.vector_load %arg5[%get3A_223, %get3A_224] {strides = array<i32>} : memref<64x16xf32, #tpu.memory_space<vmem>>, vector<16xf32>,
    %get3A_226 = arith.constant 52 : i32
    %get3A_227 = arith.index_cast %get3A_226 : i32 to index
    %get3A_228 = arith.constant 0 : index
    %get3A_229 = tpu.vector_load %arg5[%get3A_227, %get3A_228] {strides = array<i32>} : memref<64x16xf32, #tpu.memory_space<vmem>>, vector<16xf32>,
    %get3A_230 = arith.constant 53 : i32
    %get3A_231 = arith.index_cast %get3A_230 : i32 to index
    %get3A_232 = arith.constant 0 : index
    %get3A_233 = tpu.vector_load %arg5[%get3A_231, %get3A_232] {strides = array<i32>} : memref<64x16xf32, #tpu.memory_space<vmem>>, vector<16xf32>,
    %get3A_234 = arith.constant 54 : i32
    %get3A_235 = arith.index_cast %get3A_234 : i32 to index
    %get3A_236 = arith.constant 0 : index
    %get3A_237 = tpu.vector_load %arg5[%get3A_235, %get3A_236] {strides = array<i32>} : memref<64x16xf32, #tpu.memory_space<vmem>>, vector<16xf32>,
    %get3A_238 = arith.constant 55 : i32
    %get3A_239 = arith.index_cast %get3A_238 : i32 to index
    %get3A_240 = arith.constant 0 : index
    %get3A_241 = tpu.vector_load %arg5[%get3A_239, %get3A_240] {strides = array<i32>} : memref<64x16xf32, #tpu.memory_space<vmem>>, vector<16xf32>,
    %get3A_242 = arith.constant 56 : i32
    %get3A_243 = arith.index_cast %get3A_242 : i32 to index
    %get3A_244 = arith.constant 0 : index
    %get3A_245 = tpu.vector_load %arg5[%get3A_243, %get3A_244] {strides = array<i32>} : memref<64x16xf32, #tpu.memory_space<vmem>>, vector<16xf32>,
    %get3A_246 = arith.constant 57 : i32
    %get3A_247 = arith.index_cast %get3A_246 : i32 to index
    %get3A_248 = arith.constant 0 : index
    %get3A_249 = tpu.vector_load %arg5[%get3A_247, %get3A_248] {strides = array<i32>} : memref<64x16xf32, #tpu.memory_space<vmem>>, vector<16xf32>,
    %get3A_250 = arith.constant 58 : i32
    %get3A_251 = arith.index_cast %get3A_250 : i32 to index
    %get3A_252 = arith.constant 0 : index
    %get3A_253 = tpu.vector_load %arg5[%get3A_251, %get3A_252] {strides = array<i32>} : memref<64x16xf32, #tpu.memory_space<vmem>>, vector<16xf32>,
    %get3A_254 = arith.constant 59 : i32
    %get3A_255 = arith.index_cast %get3A_254 : i32 to index
    %get3A_256 = arith.constant 0 : index
    %get3A_257 = tpu.vector_load %arg5[%get3A_255, %get3A_256] {strides = array<i32>} : memref<64x16xf32, #tpu.memory_space<vmem>>, vector<16xf32>,
    %get3A_258 = arith.constant 60 : i32
    %get3A_259 = arith.index_cast %get3A_258 : i32 to index
    %get3A_260 = arith.constant 0 : index
    %get3A_261 = tpu.vector_load %arg5[%get3A_259, %get3A_260] {strides = array<i32>} : memref<64x16xf32, #tpu.memory_space<vmem>>, vector<16xf32>,
    %get3A_262 = arith.constant 61 : i32
    %get3A_263 = arith.index_cast %get3A_262 : i32 to index
    %get3A_264 = arith.constant 0 : index
    %get3A_265 = tpu.vector_load %arg5[%get3A_263, %get3A_264] {strides = array<i32>} : memref<64x16xf32, #tpu.memory_space<vmem>>, vector<16xf32>,
    %get3A_266 = arith.constant 62 : i32
    %get3A_267 = arith.index_cast %get3A_266 : i32 to index
    %get3A_268 = arith.constant 0 : index
    %get3A_269 = tpu.vector_load %arg5[%get3A_267, %get3A_268] {strides = array<i32>} : memref<64x16xf32, #tpu.memory_space<vmem>>, vector<16xf32>,
    %get3A_270 = arith.constant 63 : i32
    %get3A_271 = arith.index_cast %get3A_270 : i32 to index
    %get3A_272 = arith.constant 0 : index
    %get3A_273 = tpu.vector_load %arg5[%get3A_271, %get3A_272] {strides = array<i32>} : memref<64x16xf32, #tpu.memory_space<vmem>>, vector<16xf32>,
    %scan3A_274 = arith.constant 0 : i32
    %scan3A_275 = arith.constant 0 : i32
    %scan3A_276 = arith.constant 32 : i32
    %scan3A_277 = arith.addi %scan3A_275, %scan3A_276 : i32
    %scan3A_278 = arith.constant 1 : i32
    scf.for %scan3A_311 = %scan3A_275 to %scan3A_277 step %scan3A_278  : i32 {
      %mul3A_312 = arith.constant 16 : i32
      %mul3A_313 = arith.muli %scan3A_311, %mul3A_312 : i32
      %get3A_314 = arith.index_cast %mul3A_313 : i32 to index
      %get3A_315 = tpu.vector_load %arg6[%get3A_314] {strides = array<i32>} : memref<512xi32, #tpu.memory_space<vmem>>, vector<16xi32>,
      %broadcast_in_dim3A = vector.shape_cast %get3A_315 : vector<16xi32> to vector<16x1xi32>
      %gather3A = vector.shape_cast %broadcast_in_dim3A : vector<16x1xi32> to vector<16xi32>
      %gather3A_316 = tpu.dynamic_gather %get3A_149[%gather3A] in [0] : vector<16xf32>, vector<16xi32> -> vector<16xf32>
      %mul3A_317 = arith.constant 16 : i32
      %mul3A_318 = arith.muli %scan3A_311, %mul3A_317 : i32
      %swap3A = arith.constant 32 : i32
      %swap3A_319 = arith.index_cast %swap3A : i32 to index
      %swap3A_320 = arith.index_cast %mul3A_318 : i32 to index
      %swap3A_321 = tpu.vector_load %arg7[%swap3A_319, %swap3A_320] {strides = array<i32>} : memref<64x512xf32, #tpu.memory_space<vmem>>, vector<16xf32>,
      tpu.vector_store %arg7[%swap3A_319, %swap3A_320], %gather3A_316 {strides = array<i32>} : memref<64x512xf32, #tpu.memory_space<vmem>>, vector<16xf32>,
      %broadcast_in_dim3A_322 = vector.shape_cast %get3A_315 : vector<16xi32> to vector<16x1xi32>
      %gather3A_323 = vector.shape_cast %broadcast_in_dim3A_322 : vector<16x1xi32> to vector<16xi32>
      %gather3A_324 = tpu.dynamic_gather %get3A_153[%gather3A_323] in [0] : vector<16xf32>, vector<16xi32> -> vector<16xf32>
      %mul3A_325 = arith.constant 16 : i32
      %mul3A_326 = arith.muli %scan3A_311, %mul3A_325 : i32
      %swap3A_327 = arith.constant 33 : i32
      %swap3A_328 = arith.index_cast %swap3A_327 : i32 to index
      %swap3A_329 = arith.index_cast %mul3A_326 : i32 to index
      %swap3A_330 = tpu.vector_load %arg7[%swap3A_328, %swap3A_329] {strides = array<i32>} : memref<64x512xf32, #tpu.memory_space<vmem>>, vector<16xf32>,
      tpu.vector_store %arg7[%swap3A_328, %swap3A_329], %gather3A_324 {strides = array<i32>} : memref<64x512xf32, #tpu.memory_space<vmem>>, vector<16xf32>,
      %broadcast_in_dim3A_331 = vector.shape_cast %get3A_315 : vector<16xi32> to vector<16x1xi32>
      %gather3A_332 = vector.shape_cast %broadcast_in_dim3A_331 : vector<16x1xi32> to vector<16xi32>
      %gather3A_333 = tpu.dynamic_gather %get3A_157[%gather3A_332] in [0] : vector<16xf32>, vector<16xi32> -> vector<16xf32>
      %mul3A_334 = arith.constant 16 : i32
      %mul3A_335 = arith.muli %scan3A_311, %mul3A_334 : i32
      %swap3A_336 = arith.constant 34 : i32
      %swap3A_337 = arith.index_cast %swap3A_336 : i32 to index
      %swap3A_338 = arith.index_cast %mul3A_335 : i32 to index
      %swap3A_339 = tpu.vector_load %arg7[%swap3A_337, %swap3A_338] {strides = array<i32>} : memref<64x512xf32, #tpu.memory_space<vmem>>, vector<16xf32>,
      tpu.vector_store %arg7[%swap3A_337, %swap3A_338], %gather3A_333 {strides = array<i32>} : memref<64x512xf32, #tpu.memory_space<vmem>>, vector<16xf32>,
      %broadcast_in_dim3A_340 = vector.shape_cast %get3A_315 : vector<16xi32> to vector<16x1xi32>
      %gather3A_341 = vector.shape_cast %broadcast_in_dim3A_340 : vector<16x1xi32> to vector<16xi32>
      %gather3A_342 = tpu.dynamic_gather %get3A_161[%gather3A_341] in [0] : vector<16xf32>, vector<16xi32> -> vector<16xf32>
      %mul3A_343 = arith.constant 16 : i32
      %mul3A_344 = arith.muli %scan3A_311, %mul3A_343 : i32
      %swap3A_345 = arith.constant 35 : i32
      %swap3A_346 = arith.index_cast %swap3A_345 : i32 to index
      %swap3A_347 = arith.index_cast %mul3A_344 : i32 to index
      %swap3A_348 = tpu.vector_load %arg7[%swap3A_346, %swap3A_347] {strides = array<i32>} : memref<64x512xf32, #tpu.memory_space<vmem>>, vector<16xf32>,
      tpu.vector_store %arg7[%swap3A_346, %swap3A_347], %gather3A_342 {strides = array<i32>} : memref<64x512xf32, #tpu.memory_space<vmem>>, vector<16xf32>,
      %broadcast_in_dim3A_349 = vector.shape_cast %get3A_315 : vector<16xi32> to vector<16x1xi32>
      %gather3A_350 = vector.shape_cast %broadcast_in_dim3A_349 : vector<16x1xi32> to vector<16xi32>
      %gather3A_351 = tpu.dynamic_gather %get3A_165[%gather3A_350] in [0] : vector<16xf32>, vector<16xi32> -> vector<16xf32>
      %mul3A_352 = arith.constant 16 : i32
      %mul3A_353 = arith.muli %scan3A_311, %mul3A_352 : i32
      %swap3A_354 = arith.constant 36 : i32
      %swap3A_355 = arith.index_cast %swap3A_354 : i32 to index
      %swap3A_356 = arith.index_cast %mul3A_353 : i32 to index
      %swap3A_357 = tpu.vector_load %arg7[%swap3A_355, %swap3A_356] {strides = array<i32>} : memref<64x512xf32, #tpu.memory_space<vmem>>, vector<16xf32>,
      tpu.vector_store %arg7[%swap3A_355, %swap3A_356], %gather3A_351 {strides = array<i32>} : memref<64x512xf32, #tpu.memory_space<vmem>>, vector<16xf32>,
      %broadcast_in_dim3A_358 = vector.shape_cast %get3A_315 : vector<16xi32> to vector<16x1xi32>
      %gather3A_359 = vector.shape_cast %broadcast_in_dim3A_358 : vector<16x1xi32> to vector<16xi32>
      %gather3A_360 = tpu.dynamic_gather %get3A_169[%gather3A_359] in [0] : vector<16xf32>, vector<16xi32> -> vector<16xf32>
      %mul3A_361 = arith.constant 16 : i32
      %mul3A_362 = arith.muli %scan3A_311, %mul3A_361 : i32
      %swap3A_363 = arith.constant 37 : i32
      %swap3A_364 = arith.index_cast %swap3A_363 : i32 to index
      %swap3A_365 = arith.index_cast %mul3A_362 : i32 to index
      %swap3A_366 = tpu.vector_load %arg7[%swap3A_364, %swap3A_365] {strides = array<i32>} : memref<64x512xf32, #tpu.memory_space<vmem>>, vector<16xf32>,
      tpu.vector_store %arg7[%swap3A_364, %swap3A_365], %gather3A_360 {strides = array<i32>} : memref<64x512xf32, #tpu.memory_space<vmem>>, vector<16xf32>,
      %broadcast_in_dim3A_367 = vector.shape_cast %get3A_315 : vector<16xi32> to vector<16x1xi32>
      %gather3A_368 = vector.shape_cast %broadcast_in_dim3A_367 : vector<16x1xi32> to vector<16xi32>
      %gather3A_369 = tpu.dynamic_gather %get3A_173[%gather3A_368] in [0] : vector<16xf32>, vector<16xi32> -> vector<16xf32>
      %mul3A_370 = arith.constant 16 : i32
      %mul3A_371 = arith.muli %scan3A_311, %mul3A_370 : i32
      %swap3A_372 = arith.constant 38 : i32
      %swap3A_373 = arith.index_cast %swap3A_372 : i32 to index
      %swap3A_374 = arith.index_cast %mul3A_371 : i32 to index
      %swap3A_375 = tpu.vector_load %arg7[%swap3A_373, %swap3A_374] {strides = array<i32>} : memref<64x512xf32, #tpu.memory_space<vmem>>, vector<16xf32>,
      tpu.vector_store %arg7[%swap3A_373, %swap3A_374], %gather3A_369 {strides = array<i32>} : memref<64x512xf32, #tpu.memory_space<vmem>>, vector<16xf32>,
      %broadcast_in_dim3A_376 = vector.shape_cast %get3A_315 : vector<16xi32> to vector<16x1xi32>
      %gather3A_377 = vector.shape_cast %broadcast_in_dim3A_376 : vector<16x1xi32> to vector<16xi32>
      %gather3A_378 = tpu.dynamic_gather %get3A_177[%gather3A_377] in [0] : vector<16xf32>, vector<16xi32> -> vector<16xf32>
      %mul3A_379 = arith.constant 16 : i32
      %mul3A_380 = arith.muli %scan3A_311, %mul3A_379 : i32
      %swap3A_381 = arith.constant 39 : i32
      %swap3A_382 = arith.index_cast %swap3A_381 : i32 to index
      %swap3A_383 = arith.index_cast %mul3A_380 : i32 to index
      %swap3A_384 = tpu.vector_load %arg7[%swap3A_382, %swap3A_383] {strides = array<i32>} : memref<64x512xf32, #tpu.memory_space<vmem>>, vector<16xf32>,
      tpu.vector_store %arg7[%swap3A_382, %swap3A_383], %gather3A_378 {strides = array<i32>} : memref<64x512xf32, #tpu.memory_space<vmem>>, vector<16xf32>,
      %broadcast_in_dim3A_385 = vector.shape_cast %get3A_315 : vector<16xi32> to vector<16x1xi32>
      %gather3A_386 = vector.shape_cast %broadcast_in_dim3A_385 : vector<16x1xi32> to vector<16xi32>
      %gather3A_387 = tpu.dynamic_gather %get3A_181[%gather3A_386] in [0] : vector<16xf32>, vector<16xi32> -> vector<16xf32>
      %mul3A_388 = arith.constant 16 : i32
      %mul3A_389 = arith.muli %scan3A_311, %mul3A_388 : i32
      %swap3A_390 = arith.constant 40 : i32
      %swap3A_391 = arith.index_cast %swap3A_390 : i32 to index
      %swap3A_392 = arith.index_cast %mul3A_389 : i32 to index
      %swap3A_393 = tpu.vector_load %arg7[%swap3A_391, %swap3A_392] {strides = array<i32>} : memref<64x512xf32, #tpu.memory_space<vmem>>, vector<16xf32>,
      tpu.vector_store %arg7[%swap3A_391, %swap3A_392], %gather3A_387 {strides = array<i32>} : memref<64x512xf32, #tpu.memory_space<vmem>>, vector<16xf32>,
      %broadcast_in_dim3A_394 = vector.shape_cast %get3A_315 : vector<16xi32> to vector<16x1xi32>
      %gather3A_395 = vector.shape_cast %broadcast_in_dim3A_394 : vector<16x1xi32> to vector<16xi32>
      %gather3A_396 = tpu.dynamic_gather %get3A_185[%gather3A_395] in [0] : vector<16xf32>, vector<16xi32> -> vector<16xf32>
      %mul3A_397 = arith.constant 16 : i32
      %mul3A_398 = arith.muli %scan3A_311, %mul3A_397 : i32
      %swap3A_399 = arith.constant 41 : i32
      %swap3A_400 = arith.index_cast %swap3A_399 : i32 to index
      %swap3A_401 = arith.index_cast %mul3A_398 : i32 to index
      %swap3A_402 = tpu.vector_load %arg7[%swap3A_400, %swap3A_401] {strides = array<i32>} : memref<64x512xf32, #tpu.memory_space<vmem>>, vector<16xf32>,
      tpu.vector_store %arg7[%swap3A_400, %swap3A_401], %gather3A_396 {strides = array<i32>} : memref<64x512xf32, #tpu.memory_space<vmem>>, vector<16xf32>,
      %broadcast_in_dim3A_403 = vector.shape_cast %get3A_315 : vector<16xi32> to vector<16x1xi32>
      %gather3A_404 = vector.shape_cast %broadcast_in_dim3A_403 : vector<16x1xi32> to vector<16xi32>
      %gather3A_405 = tpu.dynamic_gather %get3A_189[%gather3A_404] in [0] : vector<16xf32>, vector<16xi32> -> vector<16xf32>
      %mul3A_406 = arith.constant 16 : i32
      %mul3A_407 = arith.muli %scan3A_311, %mul3A_406 : i32
      %swap3A_408 = arith.constant 42 : i32
      %swap3A_409 = arith.index_cast %swap3A_408 : i32 to index
      %swap3A_410 = arith.index_cast %mul3A_407 : i32 to index
      %swap3A_411 = tpu.vector_load %arg7[%swap3A_409, %swap3A_410] {strides = array<i32>} : memref<64x512xf32, #tpu.memory_space<vmem>>, vector<16xf32>,
      tpu.vector_store %arg7[%swap3A_409, %swap3A_410], %gather3A_405 {strides = array<i32>} : memref<64x512xf32, #tpu.memory_space<vmem>>, vector<16xf32>,
      %broadcast_in_dim3A_412 = vector.shape_cast %get3A_315 : vector<16xi32> to vector<16x1xi32>
      %gather3A_413 = vector.shape_cast %broadcast_in_dim3A_412 : vector<16x1xi32> to vector<16xi32>
      %gather3A_414 = tpu.dynamic_gather %get3A_193[%gather3A_413] in [0] : vector<16xf32>, vector<16xi32> -> vector<16xf32>
      %mul3A_415 = arith.constant 16 : i32
      %mul3A_416 = arith.muli %scan3A_311, %mul3A_415 : i32
      %swap3A_417 = arith.constant 43 : i32
      %swap3A_418 = arith.index_cast %swap3A_417 : i32 to index
      %swap3A_419 = arith.index_cast %mul3A_416 : i32 to index
      %swap3A_420 = tpu.vector_load %arg7[%swap3A_418, %swap3A_419] {strides = array<i32>} : memref<64x512xf32, #tpu.memory_space<vmem>>, vector<16xf32>,
      tpu.vector_store %arg7[%swap3A_418, %swap3A_419], %gather3A_414 {strides = array<i32>} : memref<64x512xf32, #tpu.memory_space<vmem>>, vector<16xf32>,
      %broadcast_in_dim3A_421 = vector.shape_cast %get3A_315 : vector<16xi32> to vector<16x1xi32>
      %gather3A_422 = vector.shape_cast %broadcast_in_dim3A_421 : vector<16x1xi32> to vector<16xi32>
      %gather3A_423 = tpu.dynamic_gather %get3A_197[%gather3A_422] in [0] : vector<16xf32>, vector<16xi32> -> vector<16xf32>
      %mul3A_424 = arith.constant 16 : i32
      %mul3A_425 = arith.muli %scan3A_311, %mul3A_424 : i32
      %swap3A_426 = arith.constant 44 : i32
      %swap3A_427 = arith.index_cast %swap3A_426 : i32 to index
      %swap3A_428 = arith.index_cast %mul3A_425 : i32 to index
      %swap3A_429 = tpu.vector_load %arg7[%swap3A_427, %swap3A_428] {strides = array<i32>} : memref<64x512xf32, #tpu.memory_space<vmem>>, vector<16xf32>,
      tpu.vector_store %arg7[%swap3A_427, %swap3A_428], %gather3A_423 {strides = array<i32>} : memref<64x512xf32, #tpu.memory_space<vmem>>, vector<16xf32>,
      %broadcast_in_dim3A_430 = vector.shape_cast %get3A_315 : vector<16xi32> to vector<16x1xi32>
      %gather3A_431 = vector.shape_cast %broadcast_in_dim3A_430 : vector<16x1xi32> to vector<16xi32>
      %gather3A_432 = tpu.dynamic_gather %get3A_201[%gather3A_431] in [0] : vector<16xf32>, vector<16xi32> -> vector<16xf32>
      %mul3A_433 = arith.constant 16 : i32
      %mul3A_434 = arith.muli %scan3A_311, %mul3A_433 : i32
      %swap3A_435 = arith.constant 45 : i32
      %swap3A_436 = arith.index_cast %swap3A_435 : i32 to index
      %swap3A_437 = arith.index_cast %mul3A_434 : i32 to index
      %swap3A_438 = tpu.vector_load %arg7[%swap3A_436, %swap3A_437] {strides = array<i32>} : memref<64x512xf32, #tpu.memory_space<vmem>>, vector<16xf32>,
      tpu.vector_store %arg7[%swap3A_436, %swap3A_437], %gather3A_432 {strides = array<i32>} : memref<64x512xf32, #tpu.memory_space<vmem>>, vector<16xf32>,
      %broadcast_in_dim3A_439 = vector.shape_cast %get3A_315 : vector<16xi32> to vector<16x1xi32>
      %gather3A_440 = vector.shape_cast %broadcast_in_dim3A_439 : vector<16x1xi32> to vector<16xi32>
      %gather3A_441 = tpu.dynamic_gather %get3A_205[%gather3A_440] in [0] : vector<16xf32>, vector<16xi32> -> vector<16xf32>
      %mul3A_442 = arith.constant 16 : i32
      %mul3A_443 = arith.muli %scan3A_311, %mul3A_442 : i32
      %swap3A_444 = arith.constant 46 : i32
      %swap3A_445 = arith.index_cast %swap3A_444 : i32 to index
      %swap3A_446 = arith.index_cast %mul3A_443 : i32 to index
      %swap3A_447 = tpu.vector_load %arg7[%swap3A_445, %swap3A_446] {strides = array<i32>} : memref<64x512xf32, #tpu.memory_space<vmem>>, vector<16xf32>,
      tpu.vector_store %arg7[%swap3A_445, %swap3A_446], %gather3A_441 {strides = array<i32>} : memref<64x512xf32, #tpu.memory_space<vmem>>, vector<16xf32>,
      %broadcast_in_dim3A_448 = vector.shape_cast %get3A_315 : vector<16xi32> to vector<16x1xi32>
      %gather3A_449 = vector.shape_cast %broadcast_in_dim3A_448 : vector<16x1xi32> to vector<16xi32>
      %gather3A_450 = tpu.dynamic_gather %get3A_209[%gather3A_449] in [0] : vector<16xf32>, vector<16xi32> -> vector<16xf32>
      %mul3A_451 = arith.constant 16 : i32
      %mul3A_452 = arith.muli %scan3A_311, %mul3A_451 : i32
      %swap3A_453 = arith.constant 47 : i32
      %swap3A_454 = arith.index_cast %swap3A_453 : i32 to index
      %swap3A_455 = arith.index_cast %mul3A_452 : i32 to index
      %swap3A_456 = tpu.vector_load %arg7[%swap3A_454, %swap3A_455] {strides = array<i32>} : memref<64x512xf32, #tpu.memory_space<vmem>>, vector<16xf32>,
      tpu.vector_store %arg7[%swap3A_454, %swap3A_455], %gather3A_450 {strides = array<i32>} : memref<64x512xf32, #tpu.memory_space<vmem>>, vector<16xf32>,
      %broadcast_in_dim3A_457 = vector.shape_cast %get3A_315 : vector<16xi32> to vector<16x1xi32>
      %gather3A_458 = vector.shape_cast %broadcast_in_dim3A_457 : vector<16x1xi32> to vector<16xi32>
      %gather3A_459 = tpu.dynamic_gather %get3A_213[%gather3A_458] in [0] : vector<16xf32>, vector<16xi32> -> vector<16xf32>
      %mul3A_460 = arith.constant 16 : i32
      %mul3A_461 = arith.muli %scan3A_311, %mul3A_460 : i32
      %swap3A_462 = arith.constant 48 : i32
      %swap3A_463 = arith.index_cast %swap3A_462 : i32 to index
      %swap3A_464 = arith.index_cast %mul3A_461 : i32 to index
      %swap3A_465 = tpu.vector_load %arg7[%swap3A_463, %swap3A_464] {strides = array<i32>} : memref<64x512xf32, #tpu.memory_space<vmem>>, vector<16xf32>,
      tpu.vector_store %arg7[%swap3A_463, %swap3A_464], %gather3A_459 {strides = array<i32>} : memref<64x512xf32, #tpu.memory_space<vmem>>, vector<16xf32>,
      %broadcast_in_dim3A_466 = vector.shape_cast %get3A_315 : vector<16xi32> to vector<16x1xi32>
      %gather3A_467 = vector.shape_cast %broadcast_in_dim3A_466 : vector<16x1xi32> to vector<16xi32>
      %gather3A_468 = tpu.dynamic_gather %get3A_217[%gather3A_467] in [0] : vector<16xf32>, vector<16xi32> -> vector<16xf32>
      %mul3A_469 = arith.constant 16 : i32
      %mul3A_470 = arith.muli %scan3A_311, %mul3A_469 : i32
      %swap3A_471 = arith.constant 49 : i32
      %swap3A_472 = arith.index_cast %swap3A_471 : i32 to index
      %swap3A_473 = arith.index_cast %mul3A_470 : i32 to index
      %swap3A_474 = tpu.vector_load %arg7[%swap3A_472, %swap3A_473] {strides = array<i32>} : memref<64x512xf32, #tpu.memory_space<vmem>>, vector<16xf32>,
      tpu.vector_store %arg7[%swap3A_472, %swap3A_473], %gather3A_468 {strides = array<i32>} : memref<64x512xf32, #tpu.memory_space<vmem>>, vector<16xf32>,
      %broadcast_in_dim3A_475 = vector.shape_cast %get3A_315 : vector<16xi32> to vector<16x1xi32>
      %gather3A_476 = vector.shape_cast %broadcast_in_dim3A_475 : vector<16x1xi32> to vector<16xi32>
      %gather3A_477 = tpu.dynamic_gather %get3A_221[%gather3A_476] in [0] : vector<16xf32>, vector<16xi32> -> vector<16xf32>
      %mul3A_478 = arith.constant 16 : i32
      %mul3A_479 = arith.muli %scan3A_311, %mul3A_478 : i32
      %swap3A_480 = arith.constant 50 : i32
      %swap3A_481 = arith.index_cast %swap3A_480 : i32 to index
      %swap3A_482 = arith.index_cast %mul3A_479 : i32 to index
      %swap3A_483 = tpu.vector_load %arg7[%swap3A_481, %swap3A_482] {strides = array<i32>} : memref<64x512xf32, #tpu.memory_space<vmem>>, vector<16xf32>,
      tpu.vector_store %arg7[%swap3A_481, %swap3A_482], %gather3A_477 {strides = array<i32>} : memref<64x512xf32, #tpu.memory_space<vmem>>, vector<16xf32>,
      %broadcast_in_dim3A_484 = vector.shape_cast %get3A_315 : vector<16xi32> to vector<16x1xi32>
      %gather3A_485 = vector.shape_cast %broadcast_in_dim3A_484 : vector<16x1xi32> to vector<16xi32>
      %gather3A_486 = tpu.dynamic_gather %get3A_225[%gather3A_485] in [0] : vector<16xf32>, vector<16xi32> -> vector<16xf32>
      %mul3A_487 = arith.constant 16 : i32
      %mul3A_488 = arith.muli %scan3A_311, %mul3A_487 : i32
      %swap3A_489 = arith.constant 51 : i32
      %swap3A_490 = arith.index_cast %swap3A_489 : i32 to index
      %swap3A_491 = arith.index_cast %mul3A_488 : i32 to index
      %swap3A_492 = tpu.vector_load %arg7[%swap3A_490, %swap3A_491] {strides = array<i32>} : memref<64x512xf32, #tpu.memory_space<vmem>>, vector<16xf32>,
      tpu.vector_store %arg7[%swap3A_490, %swap3A_491], %gather3A_486 {strides = array<i32>} : memref<64x512xf32, #tpu.memory_space<vmem>>, vector<16xf32>,
      %broadcast_in_dim3A_493 = vector.shape_cast %get3A_315 : vector<16xi32> to vector<16x1xi32>
      %gather3A_494 = vector.shape_cast %broadcast_in_dim3A_493 : vector<16x1xi32> to vector<16xi32>
      %gather3A_495 = tpu.dynamic_gather %get3A_229[%gather3A_494] in [0] : vector<16xf32>, vector<16xi32> -> vector<16xf32>
      %mul3A_496 = arith.constant 16 : i32
      %mul3A_497 = arith.muli %scan3A_311, %mul3A_496 : i32
      %swap3A_498 = arith.constant 52 : i32
      %swap3A_499 = arith.index_cast %swap3A_498 : i32 to index
      %swap3A_500 = arith.index_cast %mul3A_497 : i32 to index
      %swap3A_501 = tpu.vector_load %arg7[%swap3A_499, %swap3A_500] {strides = array<i32>} : memref<64x512xf32, #tpu.memory_space<vmem>>, vector<16xf32>,
      tpu.vector_store %arg7[%swap3A_499, %swap3A_500], %gather3A_495 {strides = array<i32>} : memref<64x512xf32, #tpu.memory_space<vmem>>, vector<16xf32>,
      %broadcast_in_dim3A_502 = vector.shape_cast %get3A_315 : vector<16xi32> to vector<16x1xi32>
      %gather3A_503 = vector.shape_cast %broadcast_in_dim3A_502 : vector<16x1xi32> to vector<16xi32>
      %gather3A_504 = tpu.dynamic_gather %get3A_233[%gather3A_503] in [0] : vector<16xf32>, vector<16xi32> -> vector<16xf32>
      %mul3A_505 = arith.constant 16 : i32
      %mul3A_506 = arith.muli %scan3A_311, %mul3A_505 : i32
      %swap3A_507 = arith.constant 53 : i32
      %swap3A_508 = arith.index_cast %swap3A_507 : i32 to index
      %swap3A_509 = arith.index_cast %mul3A_506 : i32 to index
      %swap3A_510 = tpu.vector_load %arg7[%swap3A_508, %swap3A_509] {strides = array<i32>} : memref<64x512xf32, #tpu.memory_space<vmem>>, vector<16xf32>,
      tpu.vector_store %arg7[%swap3A_508, %swap3A_509], %gather3A_504 {strides = array<i32>} : memref<64x512xf32, #tpu.memory_space<vmem>>, vector<16xf32>,
      %broadcast_in_dim3A_511 = vector.shape_cast %get3A_315 : vector<16xi32> to vector<16x1xi32>
      %gather3A_512 = vector.shape_cast %broadcast_in_dim3A_511 : vector<16x1xi32> to vector<16xi32>
      %gather3A_513 = tpu.dynamic_gather %get3A_237[%gather3A_512] in [0] : vector<16xf32>, vector<16xi32> -> vector<16xf32>
      %mul3A_514 = arith.constant 16 : i32
      %mul3A_515 = arith.muli %scan3A_311, %mul3A_514 : i32
      %swap3A_516 = arith.constant 54 : i32
      %swap3A_517 = arith.index_cast %swap3A_516 : i32 to index
      %swap3A_518 = arith.index_cast %mul3A_515 : i32 to index
      %swap3A_519 = tpu.vector_load %arg7[%swap3A_517, %swap3A_518] {strides = array<i32>} : memref<64x512xf32, #tpu.memory_space<vmem>>, vector<16xf32>,
      tpu.vector_store %arg7[%swap3A_517, %swap3A_518], %gather3A_513 {strides = array<i32>} : memref<64x512xf32, #tpu.memory_space<vmem>>, vector<16xf32>,
      %broadcast_in_dim3A_520 = vector.shape_cast %get3A_315 : vector<16xi32> to vector<16x1xi32>
      %gather3A_521 = vector.shape_cast %broadcast_in_dim3A_520 : vector<16x1xi32> to vector<16xi32>
      %gather3A_522 = tpu.dynamic_gather %get3A_241[%gather3A_521] in [0] : vector<16xf32>, vector<16xi32> -> vector<16xf32>
      %mul3A_523 = arith.constant 16 : i32
      %mul3A_524 = arith.muli %scan3A_311, %mul3A_523 : i32
      %swap3A_525 = arith.constant 55 : i32
      %swap3A_526 = arith.index_cast %swap3A_525 : i32 to index
      %swap3A_527 = arith.index_cast %mul3A_524 : i32 to index
      %swap3A_528 = tpu.vector_load %arg7[%swap3A_526, %swap3A_527] {strides = array<i32>} : memref<64x512xf32, #tpu.memory_space<vmem>>, vector<16xf32>,
      tpu.vector_store %arg7[%swap3A_526, %swap3A_527], %gather3A_522 {strides = array<i32>} : memref<64x512xf32, #tpu.memory_space<vmem>>, vector<16xf32>,
      %broadcast_in_dim3A_529 = vector.shape_cast %get3A_315 : vector<16xi32> to vector<16x1xi32>
      %gather3A_530 = vector.shape_cast %broadcast_in_dim3A_529 : vector<16x1xi32> to vector<16xi32>
      %gather3A_531 = tpu.dynamic_gather %get3A_245[%gather3A_530] in [0] : vector<16xf32>, vector<16xi32> -> vector<16xf32>
      %mul3A_532 = arith.constant 16 : i32
      %mul3A_533 = arith.muli %scan3A_311, %mul3A_532 : i32
      %swap3A_534 = arith.constant 56 : i32
      %swap3A_535 = arith.index_cast %swap3A_534 : i32 to index
      %swap3A_536 = arith.index_cast %mul3A_533 : i32 to index
      %swap3A_537 = tpu.vector_load %arg7[%swap3A_535, %swap3A_536] {strides = array<i32>} : memref<64x512xf32, #tpu.memory_space<vmem>>, vector<16xf32>,
      tpu.vector_store %arg7[%swap3A_535, %swap3A_536], %gather3A_531 {strides = array<i32>} : memref<64x512xf32, #tpu.memory_space<vmem>>, vector<16xf32>,
      %broadcast_in_dim3A_538 = vector.shape_cast %get3A_315 : vector<16xi32> to vector<16x1xi32>
      %gather3A_539 = vector.shape_cast %broadcast_in_dim3A_538 : vector<16x1xi32> to vector<16xi32>
      %gather3A_540 = tpu.dynamic_gather %get3A_249[%gather3A_539] in [0] : vector<16xf32>, vector<16xi32> -> vector<16xf32>
      %mul3A_541 = arith.constant 16 : i32
      %mul3A_542 = arith.muli %scan3A_311, %mul3A_541 : i32
      %swap3A_543 = arith.constant 57 : i32
      %swap3A_544 = arith.index_cast %swap3A_543 : i32 to index
      %swap3A_545 = arith.index_cast %mul3A_542 : i32 to index
      %swap3A_546 = tpu.vector_load %arg7[%swap3A_544, %swap3A_545] {strides = array<i32>} : memref<64x512xf32, #tpu.memory_space<vmem>>, vector<16xf32>,
      tpu.vector_store %arg7[%swap3A_544, %swap3A_545], %gather3A_540 {strides = array<i32>} : memref<64x512xf32, #tpu.memory_space<vmem>>, vector<16xf32>,
      %broadcast_in_dim3A_547 = vector.shape_cast %get3A_315 : vector<16xi32> to vector<16x1xi32>
      %gather3A_548 = vector.shape_cast %broadcast_in_dim3A_547 : vector<16x1xi32> to vector<16xi32>
      %gather3A_549 = tpu.dynamic_gather %get3A_253[%gather3A_548] in [0] : vector<16xf32>, vector<16xi32> -> vector<16xf32>
      %mul3A_550 = arith.constant 16 : i32
      %mul3A_551 = arith.muli %scan3A_311, %mul3A_550 : i32
      %swap3A_552 = arith.constant 58 : i32
      %swap3A_553 = arith.index_cast %swap3A_552 : i32 to index
      %swap3A_554 = arith.index_cast %mul3A_551 : i32 to index
      %swap3A_555 = tpu.vector_load %arg7[%swap3A_553, %swap3A_554] {strides = array<i32>} : memref<64x512xf32, #tpu.memory_space<vmem>>, vector<16xf32>,
      tpu.vector_store %arg7[%swap3A_553, %swap3A_554], %gather3A_549 {strides = array<i32>} : memref<64x512xf32, #tpu.memory_space<vmem>>, vector<16xf32>,
      %broadcast_in_dim3A_556 = vector.shape_cast %get3A_315 : vector<16xi32> to vector<16x1xi32>
      %gather3A_557 = vector.shape_cast %broadcast_in_dim3A_556 : vector<16x1xi32> to vector<16xi32>
      %gather3A_558 = tpu.dynamic_gather %get3A_257[%gather3A_557] in [0] : vector<16xf32>, vector<16xi32> -> vector<16xf32>
      %mul3A_559 = arith.constant 16 : i32
      %mul3A_560 = arith.muli %scan3A_311, %mul3A_559 : i32
      %swap3A_561 = arith.constant 59 : i32
      %swap3A_562 = arith.index_cast %swap3A_561 : i32 to index
      %swap3A_563 = arith.index_cast %mul3A_560 : i32 to index
      %swap3A_564 = tpu.vector_load %arg7[%swap3A_562, %swap3A_563] {strides = array<i32>} : memref<64x512xf32, #tpu.memory_space<vmem>>, vector<16xf32>,
      tpu.vector_store %arg7[%swap3A_562, %swap3A_563], %gather3A_558 {strides = array<i32>} : memref<64x512xf32, #tpu.memory_space<vmem>>, vector<16xf32>,
      %broadcast_in_dim3A_565 = vector.shape_cast %get3A_315 : vector<16xi32> to vector<16x1xi32>
      %gather3A_566 = vector.shape_cast %broadcast_in_dim3A_565 : vector<16x1xi32> to vector<16xi32>
      %gather3A_567 = tpu.dynamic_gather %get3A_261[%gather3A_566] in [0] : vector<16xf32>, vector<16xi32> -> vector<16xf32>
      %mul3A_568 = arith.constant 16 : i32
      %mul3A_569 = arith.muli %scan3A_311, %mul3A_568 : i32
      %swap3A_570 = arith.constant 60 : i32
      %swap3A_571 = arith.index_cast %swap3A_570 : i32 to index
      %swap3A_572 = arith.index_cast %mul3A_569 : i32 to index
      %swap3A_573 = tpu.vector_load %arg7[%swap3A_571, %swap3A_572] {strides = array<i32>} : memref<64x512xf32, #tpu.memory_space<vmem>>, vector<16xf32>,
      tpu.vector_store %arg7[%swap3A_571, %swap3A_572], %gather3A_567 {strides = array<i32>} : memref<64x512xf32, #tpu.memory_space<vmem>>, vector<16xf32>,
      %broadcast_in_dim3A_574 = vector.shape_cast %get3A_315 : vector<16xi32> to vector<16x1xi32>
      %gather3A_575 = vector.shape_cast %broadcast_in_dim3A_574 : vector<16x1xi32> to vector<16xi32>
      %gather3A_576 = tpu.dynamic_gather %get3A_265[%gather3A_575] in [0] : vector<16xf32>, vector<16xi32> -> vector<16xf32>
      %mul3A_577 = arith.constant 16 : i32
      %mul3A_578 = arith.muli %scan3A_311, %mul3A_577 : i32
      %swap3A_579 = arith.constant 61 : i32
      %swap3A_580 = arith.index_cast %swap3A_579 : i32 to index
      %swap3A_581 = arith.index_cast %mul3A_578 : i32 to index
      %swap3A_582 = tpu.vector_load %arg7[%swap3A_580, %swap3A_581] {strides = array<i32>} : memref<64x512xf32, #tpu.memory_space<vmem>>, vector<16xf32>,
      tpu.vector_store %arg7[%swap3A_580, %swap3A_581], %gather3A_576 {strides = array<i32>} : memref<64x512xf32, #tpu.memory_space<vmem>>, vector<16xf32>,
      %broadcast_in_dim3A_583 = vector.shape_cast %get3A_315 : vector<16xi32> to vector<16x1xi32>
      %gather3A_584 = vector.shape_cast %broadcast_in_dim3A_583 : vector<16x1xi32> to vector<16xi32>
      %gather3A_585 = tpu.dynamic_gather %get3A_269[%gather3A_584] in [0] : vector<16xf32>, vector<16xi32> -> vector<16xf32>
      %mul3A_586 = arith.constant 16 : i32
      %mul3A_587 = arith.muli %scan3A_311, %mul3A_586 : i32
      %swap3A_588 = arith.constant 62 : i32
      %swap3A_589 = arith.index_cast %swap3A_588 : i32 to index
      %swap3A_590 = arith.index_cast %mul3A_587 : i32 to index
      %swap3A_591 = tpu.vector_load %arg7[%swap3A_589, %swap3A_590] {strides = array<i32>} : memref<64x512xf32, #tpu.memory_space<vmem>>, vector<16xf32>,
      tpu.vector_store %arg7[%swap3A_589, %swap3A_590], %gather3A_585 {strides = array<i32>} : memref<64x512xf32, #tpu.memory_space<vmem>>, vector<16xf32>,
      %broadcast_in_dim3A_592 = vector.shape_cast %get3A_315 : vector<16xi32> to vector<16x1xi32>
      %gather3A_593 = vector.shape_cast %broadcast_in_dim3A_592 : vector<16x1xi32> to vector<16xi32>
      %gather3A_594 = tpu.dynamic_gather %get3A_273[%gather3A_593] in [0] : vector<16xf32>, vector<16xi32> -> vector<16xf32>
      %mul3A_595 = arith.constant 16 : i32
      %mul3A_596 = arith.muli %scan3A_311, %mul3A_595 : i32
      %swap3A_597 = arith.constant 63 : i32
      %swap3A_598 = arith.index_cast %swap3A_597 : i32 to index
      %swap3A_599 = arith.index_cast %mul3A_596 : i32 to index
      %swap3A_600 = tpu.vector_load %arg7[%swap3A_598, %swap3A_599] {strides = array<i32>} : memref<64x512xf32, #tpu.memory_space<vmem>>, vector<16xf32>,
      tpu.vector_store %arg7[%swap3A_598, %swap3A_599], %gather3A_594 {strides = array<i32>} : memref<64x512xf32, #tpu.memory_space<vmem>>, vector<16xf32>,
    }
    %scan3A_279 = arith.constant 32 : i32
    %mul3A_280 = arith.constant 512 : i32
    %mul3A_281 = arith.muli %add3A, %mul3A_280 : i32
    %dma_start3A_282 = arith.constant 32 : i32
    %dma_start3A_283 = arith.constant 0 : i32
    %dma_start3A_284 = tpu.memref_slice %arg7[%dma_start3A_282, %dma_start3A_283] : memref<64x512xf32, #tpu.memory_space<vmem>> -> memref<32x512xf32, #tpu.memory_space<vmem>>
    %dma_start3A_285 = arith.constant 32 : i32
    %dma_start3A_286 = tpu.memref_slice %arg4[%dma_start3A_285, %mul3A_281] : memref<64x16384xf32, #tpu.memory_space<hbm>> -> memref<32x512xf32, #tpu.memory_space<hbm>>
    %dma_start3A_287 = arith.constant 32 : i32
    %dma_start3A_288 = tpu.memref_slice %arg4[%dma_start3A_287, %mul3A_281] : memref<64x16384xf32, #tpu.memory_space<hbm>> -> memref<32x512xf32, #tpu.memory_space<hbm>>
    %dma_start3A_289 = arith.constant 32 : i32
    %dma_start3A_290 = arith.constant 0 : i32
    %dma_start3A_291 = tpu.memref_slice %arg7[%dma_start3A_289, %dma_start3A_290] : memref<64x512xf32, #tpu.memory_space<vmem>> -> memref<32x512xf32, #tpu.memory_space<vmem>>
    tpu.enqueue_dma source(%dma_start3A_291 : memref<32x512xf32, #tpu.memory_space<vmem>>) target(%dma_start3A_288 : memref<32x512xf32, #tpu.memory_space<hbm>>) target_semaphore(%arg8 : memref<!tpu.dma_semaphore, #tpu.memory_space<semaphore_mem>>)
    %dma_wait3A = arith.constant 0 : i32
    %dma_wait3A_292 = arith.constant 0 : i32
    %dma_wait3A_293 = tpu.memref_slice %arg7[%dma_wait3A, %dma_wait3A_292] : memref<64x512xf32, #tpu.memory_space<vmem>> -> memref<32x512xf32, #tpu.memory_space<vmem>>
    %dma_wait3A_294 = arith.constant 0 : i32
    %dma_wait3A_295 = tpu.memref_slice %arg4[%dma_wait3A_294, %mul3A_136] : memref<64x16384xf32, #tpu.memory_space<hbm>> -> memref<32x512xf32, #tpu.memory_space<hbm>>
    %dma_wait3A_296 = arith.constant 0 : i32
    %dma_wait3A_297 = tpu.memref_slice %arg4[%dma_wait3A_296, %mul3A_136] : memref<64x16384xf32, #tpu.memory_space<hbm>> -> memref<32x512xf32, #tpu.memory_space<hbm>>
    %dma_wait3A_298 = arith.constant 0 : i32
    %dma_wait3A_299 = arith.constant 0 : i32
    %dma_wait3A_300 = tpu.memref_slice %arg7[%dma_wait3A_298, %dma_wait3A_299] : memref<64x512xf32, #tpu.memory_space<vmem>> -> memref<32x512xf32, #tpu.memory_space<vmem>>
    tpu.wait_dma2 semaphore(%arg8 : memref<!tpu.dma_semaphore, #tpu.memory_space<semaphore_mem>>) src(%dma_wait3A_300 : memref<32x512xf32, #tpu.memory_space<vmem>>) dst(%dma_wait3A_297 : memref<32x512xf32, #tpu.memory_space<hbm>>)
    %dma_wait3A_301 = arith.constant 32 : i32
    %dma_wait3A_302 = arith.constant 0 : i32
    %dma_wait3A_303 = tpu.memref_slice %arg7[%dma_wait3A_301, %dma_wait3A_302] : memref<64x512xf32, #tpu.memory_space<vmem>> -> memref<32x512xf32, #tpu.memory_space<vmem>>
    %dma_wait3A_304 = arith.constant 32 : i32
    %dma_wait3A_305 = tpu.memref_slice %arg4[%dma_wait3A_304, %mul3A_281] : memref<64x16384xf32, #tpu.memory_space<hbm>> -> memref<32x512xf32, #tpu.memory_space<hbm>>
    %dma_wait3A_306 = arith.constant 32 : i32
    %dma_wait3A_307 = tpu.memref_slice %arg4[%dma_wait3A_306, %mul3A_281] : memref<64x16384xf32, #tpu.memory_space<hbm>> -> memref<32x512xf32, #tpu.memory_space<hbm>>
    %dma_wait3A_308 = arith.constant 32 : i32
    %dma_wait3A_309 = arith.constant 0 : i32
    %dma_wait3A_310 = tpu.memref_slice %arg7[%dma_wait3A_308, %dma_wait3A_309] : memref<64x512xf32, #tpu.memory_space<vmem>> -> memref<32x512xf32, #tpu.memory_space<vmem>>
    tpu.wait_dma2 semaphore(%arg8 : memref<!tpu.dma_semaphore, #tpu.memory_space<semaphore_mem>>) src(%dma_wait3A_310 : memref<32x512xf32, #tpu.memory_space<vmem>>) dst(%dma_wait3A_307 : memref<32x512xf32, #tpu.memory_space<hbm>>)
    return
  }
}

module attributes {stable_mosaic.version = 14 : i64} {
  func.func @_projt_body(%arg0: memref<13x64xf32, #tpu.memory_space<vmem>>, %arg1: memref<64x64xf32, #tpu.memory_space<vmem>>, %arg2: memref<1x64xf32, #tpu.memory_space<vmem>>, %arg3: memref<64x16xf32, #tpu.memory_space<vmem>>) attributes {dimension_semantics = [], scalar_prefetch = 0 : i64, scratch_operands = 0 : i64, tpu.core_type = #tpu.core_type<tc>} {
    %get3A = arith.constant 0 : index
    %get3A_0 = arith.constant 0 : index
    %get3A_1 = vector.load %arg1[%get3A, %get3A_0] : memref<64x64xf32, #tpu.memory_space<vmem>>, vector<64x64xf32>
    %get3A_2 = arith.constant 0 : index
    %get3A_3 = arith.constant 0 : index
    %get3A_4 = vector.load %arg0[%get3A_2, %get3A_3] : memref<13x64xf32, #tpu.memory_space<vmem>>, vector<13x64xf32>
    %dot_general3A = arith.constant dense<0.000000e+00> : vector<64x13xf32>
    %dot_general3A_5 = tpu.matmul %get3A_1, %get3A_4, %dot_general3A {dimension_numbers = #tpu.dot_dimension_numbers<[1], [1], [0], [0], [0, 0, 1, 0], [], []>, transpose_lhs_hint = false} : vector<64x64xf32>, vector<13x64xf32>, vector<64x13xf32> -> vector<64x13xf32>
    %get3A_6 = arith.constant 0 : index
    %get3A_7 = arith.constant 0 : index
    %get3A_8 = vector.load %arg2[%get3A_6, %get3A_7] : memref<1x64xf32, #tpu.memory_space<vmem>>, vector<1x64xf32>
    %transpose3A = tpu.transpose %get3A_8, [1, 0] : vector<1x64xf32> -> vector<64x1xf32>
    %add3A = vector.broadcast %transpose3A : vector<64x1xf32> to vector<64x13xf32>
    %add3A_9 = arith.addf %dot_general3A_5, %add3A : vector<64x13xf32>
    %swap3A = arith.constant 0 : index
    %swap3A_10 = arith.constant 0 : index
    %swap3A_11 = vector.load %arg3[%swap3A, %swap3A_10] : memref<64x16xf32, #tpu.memory_space<vmem>>, vector<64x13xf32>
    tpu.vector_store %arg3[%swap3A, %swap3A_10], %add3A_9 {strides = array<i32>} : memref<64x16xf32, #tpu.memory_space<vmem>>, vector<64x13xf32>,
    %broadcast_in_dim3A = arith.constant 0.000000e+00 : f32
    %broadcast_in_dim3A_12 = vector.broadcast %broadcast_in_dim3A : f32 to vector<64x3xf32>
    %swap3A_13 = arith.constant 0 : index
    %swap3A_14 = arith.constant 13 : index
    %swap3A_15 = vector.load %arg3[%swap3A_13, %swap3A_14] : memref<64x16xf32, #tpu.memory_space<vmem>>, vector<64x3xf32>
    tpu.vector_store %arg3[%swap3A_13, %swap3A_14], %broadcast_in_dim3A_12 {strides = array<i32>} : memref<64x16xf32, #tpu.memory_space<vmem>>, vector<64x3xf32>,
    return
  }
}

</mosaic_0001>

<sc_bundles>
// kernel: kernel.4.cloned.1.call-start
scs
__scs_entry_jumppad:
0x0: {  	(pc) =	sbr.rel $0x88, $3  }
0x1: {  	(tag) =	ssettag $0x0;
	lr =	simm.s32 $0x1  }
0x2: {  	[smem:$0x3F9D] =	sst lr;
	_ =	strace $0xD0000000  }
0x3: {  	_ = 	snop  }
0x4: {  	_ = 	snop  }
0x5: {  	_ = 	snop  }
0x6: {  	_ = 	snop  }
0x7: {  	_ = 	snop  }
__scs_overlays_trampoline_lowered:
0x8: {  	[smem:$0x3FAC] =	sst s0  }
0x9: {  	[smem:$0x3FAD] =	sst s1  }
0xa: {  	[smem:$0x3FAE] =	sst s2  }
0xb: {  	[smem:$0x3FAF] =	sst s3  }
0xc: {  	[smem:$0x3FB0] =	sst s4  }
0xd: {  	[smem:$0x3FB1] =	sst s5  }
0xe: {  	[smem:$0x3FB2] =	sst s6  }
0xf: {  	[smem:$0x3FB3] =	sst s7  }
0x10: {  	[smem:$0x3FB4] =	sst s8  }
0x11: {  	[smem:$0x3FB5] =	sst s9;
	s0 =	simm.s32 @!p0 $0x0  }
0x12: {  	s1 =	sld [smem:$0x3F9B];
	s0 =	simm.s32 @p0 $0x1  }
0x13: {  	[smem:$0x3FB6] =	sst s0;
	s0 =	simm.s32 @!p1 $0x0  }
0x14: {  	s2 =	sld [smem:$0x3F9A];
	s0 =	simm.s32 @p1 $0x1  }
0x15: {  	[smem:$0x3FB7] =	sst s0;
	s0 =	simm.s32 @!p2 $0x0  }
0x16: {  	s3 =	sld [smem:$0x3FDB];
	s0 =	simm.s32 @p2 $0x1  }
0x17: {  	s4 =	simm.s32 $0x1BF5;
	[smem:$0x3FB9] =	sst s0  }
0x18: {  	s0 =	sld [smem:$0x3F9C];
	_ =	swait.ge [sflag:s4], $0x0  }
0x19: {  	s7 =	sld [smem:$0x3F9D]  }
0x1a: {  	s8 =	sadd.s32 $0xFFFFE003, lr  }
0x1b: {  	s9 =	sadd.s32 $0xFFFFFEF7, lr;
	s5 =	simm.s32 $0xFFFFFFFF;
	p2 =	slt.u32 s8, $0xFFFFF086  }
0x1c: {  	p1 =	slt.u32 s9, $0xF7A;
	s5 =	simm.s32 @!p2 $0x0  }
0x1d: {  	s5 =	simm.s32 @p1 $0x1;
	p0 =	seq.s32 s7, s2  }
0x1e: {  	s7 =	smul.u32 @!p0 $0xF7A, s2;
	p2 =	seq.s32 @!p0 s5, $0x0  }
0x1f: {  	s9 =	smul.u32 $0xF7A, s1;
	s8 =	simm.s32 @!p0 $0x1BF5;
	p2 =	por !p2, p0  }
0x20: {  	[sflag:s8] =	ssyncset.s32 @!p0 $0xFFFFF086;
	s6 =	sadd.s32 @!p0 s3, s7;
	s7 =	simm.s32 @!p0 $0x108  }
0x21: {  	s3 =	sadd.s32 s3, s9;
	s6 =	sadd.s32 @!p0 $0x88, s6;
	s7 =	simm.s32 @p2 $0x1082  }
0x22: {  	[simem:s7], [sflag:s8] =	dma.local @!p0 [hbm:s6], $0xF7A  }
0x23: {  	s9 =	sor.u32 $0xD0000000, s2;
	s6 =	simm.s32 $0x108;
	_ =	swait.ge @!p0 [sflag:s8], $0x0  }
0x24: {  	s3 =	sadd.s32 $0x88, s3;
	s6 =	simm.s32 @!p1 $0x1082;
	[sflag:s4] =	ssyncset.s32 $0xFFFFF086  }
0x25: {  	[simem:s6], [sflag:s4] =	dma.local [hbm:s3], $0xF7A  }
0x26: {  	[smem:$0x3F9D] =	sst s1;
	(tag) =	ssettag s2;
	_ =	strace s9  }
0x27: {  	s1 =	sld [smem:$0x3FAD]  }
0x28: {  	s2 =	sld [smem:$0x3FAE]  }
0x29: {  	s4 =	sld [smem:$0x3FB0]  }
0x2a: {  	p0 =	seq.s32 s5, $0x0;
	s5 =	sld [smem:$0x3FB1]  }
0x2b: {  	s6 =	sld [smem:$0x3FB2]  }
0x2c: {  	s7 =	sld [smem:$0x3FB3]  }
0x2d: {  	s3 =	simm.s32 $0x108;
	s8 =	sld [smem:$0x3FB4]  }
0x2e: {  	s3 =	simm.s32 @!p0 $0x1082;
	s9 =	sld [smem:$0x3FB5]  }
0x2f: {  	lr =	sadd.s32 s0, s3;
	s0 =	sld [smem:$0x3FAC]  }
0x30: {  	s3 =	sld [smem:$0x3FAF]  }
0x31: {  	[smem:$0x3FB8] =	sst s10  }
0x32: {  	s10 =	sld [smem:$0x3FB6];
	_ =	sdelay $0x3  }
0x33: {  	p0 =	seq.s32 s10, $0x1;
	s10 =	sld [smem:$0x3FB8];
	_ =	sdelay $0x3  }
0x34: {  	[smem:$0x3FB8] =	sst s10  }
0x35: {  	s10 =	sld [smem:$0x3FB7];
	_ =	sdelay $0x3  }
0x36: {  	p1 =	seq.s32 s10, $0x1;
	s10 =	sld [smem:$0x3FB8];
	_ =	sdelay $0x3  }
0x37: {  	[smem:$0x3FB8] =	sst s10  }
0x38: {  	s10 =	sld [smem:$0x3FB9]  }
0x39: {  	_ = 	snop;
	(pc) =	sbr.ind lr, $3  }
0x3a: {  	_ = 	snop  }
0x3b: {  	_ = 	snop  }
0x3c: {  	p2 =	seq.s32 s10, $0x1;
	s10 =	sld [smem:$0x3FB8]  }
0x3d: {  	_ =	shalt  }
0x3e: {  	_ =	shalt  }
0x3f: {  	_ =	shalt  }
0x40: {  	_ =	shalt  }
0x41: {  	_ =	shalt  }
0x42: {  	_ =	shalt  }
0x43: {  	_ =	shalt  }
0x44: {  	_ =	shalt  }
0x45: {  	_ =	shalt  }
0x46: {  	_ =	shalt  }
0x47: {  	_ =	shalt  }
0x48: {  	_ =	shalt  }
0x49: {  	_ =	shalt  }
0x4a: {  	_ =	shalt  }
0x4b: {  	_ =	shalt  }
0x4c: {  	_ =	shalt  }
0x4d: {  	_ =	shalt  }
0x4e: {  	_ =	shalt  }
0x4f: {  	_ =	shalt  }
0x50: {  	_ =	shalt  }
0x51: {  	_ =	shalt  }
0x52: {  	_ =	shalt  }
0x53: {  	_ =	shalt  }
0x54: {  	_ =	shalt  }
0x55: {  	_ =	shalt  }
0x56: {  	_ =	shalt  }
0x57: {  	_ =	shalt  }
0x58: {  	_ =	shalt  }
0x59: {  	_ =	shalt  }
0x5a: {  	_ =	shalt  }
0x5b: {  	_ =	shalt  }
0x5c: {  	_ =	shalt  }
0x5d: {  	_ =	shalt  }
0x5e: {  	_ =	shalt  }
0x5f: {  	_ =	shalt  }
0x60: {  	_ =	shalt  }
0x61: {  	_ =	shalt  }
0x62: {  	_ =	shalt  }
0x63: {  	_ =	shalt  }
0x64: {  	_ =	shalt  }
0x65: {  	_ =	shalt  }
0x66: {  	_ =	shalt  }
0x67: {  	_ =	shalt  }
0x68: {  	_ =	shalt  }
0x69: {  	_ =	shalt  }
0x6a: {  	_ =	shalt  }
0x6b: {  	_ =	shalt  }
0x6c: {  	_ =	shalt  }
0x6d: {  	_ =	shalt  }
0x6e: {  	_ =	shalt  }
0x6f: {  	_ =	shalt  }
0x70: {  	_ =	shalt  }
0x71: {  	_ =	shalt  }
0x72: {  	_ =	shalt  }
0x73: {  	_ =	shalt  }
0x74: {  	_ =	shalt  }
0x75: {  	_ =	shalt  }
0x76: {  	_ =	shalt  }
0x77: {  	_ =	shalt  }
0x78: {  	_ =	shalt  }
0x79: {  	_ =	shalt  }
0x7a: {  	_ =	shalt  }
0x7b: {  	_ =	shalt  }
0x7c: {  	_ =	shalt  }
0x7d: {  	_ =	shalt  }
0x7e: {  	_ =	shalt  }
0x7f: {  	_ =	shalt  }
0x80: {  	_ =	shalt  }
0x81: {  	_ =	shalt  }
0x82: {  	_ =	shalt  }
0x83: {  	_ =	shalt  }
0x84: {  	_ =	shalt  }
0x85: {  	_ =	shalt  }
0x86: {  	_ =	shalt  }
0x87: {  	_ =	shalt  }
.Lfunc_end0:
.L_simem_size_0:
called_computation_lowered:
.L_overlay_start_0:
0x88: {  	s2 =	sld [smem:$0x3FD9]  }
0x89: {  	s3 =	sld [smem:$0x3FFE];
	_ =	sdelay $0x1  }
0x8a: {  	s1 =	srdreg.scid  }
0x8b: {  	s0 =	sand.u32 $0x1, s1  }
0x8c: {  	s17 =	sshll.u32 s0, $0xA;
	s2 =	sadd.s32 s3, s2  }
0x8d: {  	s2 =	sadd.s32 s2, s17  }
0x8e: {  	[smem:$0x3FC4] =	sst s2  }
0x8f: {  	_ = 	snop  }
0x90: {  	s2 =	sld [smem:$0x3FC9]  }
0x91: {  	s18 =	sld [smem:$0x3FD0];
	(tm) =	ssettm $0x1  }
0x92: {  	s4 =	sld [smem:$0x3FFB];
	_ =	sdelay $0x3  }
0x93: {  	_ =	strace s4  }
0x94: {  	s4 =	sld [smem:$0x3FFC];
	_ =	sdelay $0x3  }
0x95: {  	_ =	strace s4  }
0x96: {  	s4 =	sld [smem:$0x3FFD];
	_ =	sdelay $0x3  }
0x97: {  	_ =	strace s4  }
0x98: {  	_ =	strace $0x8FFFFFFF  }
0x99: {  	s19 =	sld [smem:$0x3FDB];
	_ =	sdelay $0x1  }
0x9a: {  	s5 =	simm.s32 $_scs_section_size  }
0x9b: {  	s6 =	simm.s32 $_size__tile_overlayer_lowered;
	s7 =	simm.s32 $_tile_overlayer_lowered  }
0x9c: {  	s22 =	simm.s32 $0x1BFF;
	s21 =	sshll.u32 s7, $0x1;
	s4 =	sadd.s32 s5, s19  }
0x9d: {  	s8 =	simm.s32 $0x0;
	s20 =	sshll.u32 s6, $0x1;
	s6 =	sadd.s32 s21, s4  }
0x9e: {  	[timem:s8], [sflag:s22] =	dma.local [hbm:s6], s20  }
0x9f: {  	_ =	swait.ge [sflag:s22], s20  }
0xa0: {  	s5 =	ssub.s32 $0x0, s20;
	[sflag:s22] =	ssyncset.done $0x0  }
0xa1: {  	[sflag:s22] =	ssyncadd.s32 s5;
	_ =	sdelay $0x1  }
0xa2: {  	s23 =	simm.s32 $0x1B8B  }
0xa3: {  	_ =	swait.ge [sflag:s23], $0x1  }
0xa4: {  	[sflag:s23] =	ssyncset.done $0x0  }
0xa5: {  	s25 =	simm.s32 $0x1B8E;
	s24 =	sld [smem:$0x3FFE];
	[sflag:s23] =	ssyncadd.s32 $0xFFFFFFFF  }
0xa6: {  	s26 =	simm.s32 $execute0_lowered;
	[smem:$0x3FD2] =	sst s25  }
0xa7: {  	s6 =	sshll.u32 s26, $0x1;
	_ =	strace $0x80000046;
	[dreg:$0x1] =	wrdreg $0xFFFFFFFF  }
0xa8: {  	s28 =	simm.s32 $_size_execute0_lowered;
	s4 =	sadd.s32 s4, s6;
	[dreg:$0x0] =	wrdreg $0x0  }
0xa9: {  	s6 =	sshll.u32 s28, $0x1;
	[dreg:$0x2] =	wrdreg s4  }
0xaa: {  	[dreg:$0x3] =	wrdreg s6  }
0xab: {  	[dreg:$0x4] =	wrdreg $0xC0  }
0xac: {  	_ =	task [dreg:s8], $0x5FFFF  }
0xad: {  	[dreg:$0x1] =	wrdreg $0xFFFFFFFF  }
0xae: {  	[dreg:$0x0] =	wrdreg $0x60  }
0xaf: {  	[dreg:$0x2] =	wrdreg s24  }
0xb0: {  	[dreg:$0x3] =	wrdreg s2  }
0xb1: {  	[dreg:$0x4] =	wrdreg s18  }
0xb2: {  	[dreg:$0x5] =	wrdreg $0x9  }
0xb3: {  	_ =	task.clear_ibuf [dreg:s8], $0x6FFFF;
	_ =	strace $0x90000046  }
0xb4: {  	s29 =	simm.s32 $0x9;
	_ =	strace $0x80000048  }
0xb5: {  	_ =	swait.ge [sflag:s29], $0x1  }
0xb6: {  	[sflag:s29] =	ssyncadd.s32 $0xFFFFFFFF  }
0xb7: {  	_ =	strace $0x90000048  }
0xb8: {  	_ =	sfence  }
0xb9: {  	s30 =	sld [smem:$0x0];
	_ =	sdelay $0x2  }
0xba: {  	s31 =	sshll.u32 s1, $0xD;
	s1 =	sshrl.u32 s1, $0x2  }
0xbb: {  	s3 =	sand.u32 $0x4000, s31;
	s1 =	sadd.s32 s1, s30  }
0xbc: {  	s0 =	sor.u32 s3, s0;
	s1 =	sshll.u32 s1, $0x11  }
0xbd: {  	s0 =	sor.u32 s1, s0  }
0xbe: {  	s0 =	sadd.s32 $0x8F2B, s0  }
0xbf: {  	[sflag:s0] =	ssyncadd.remote.s32 $0x1  }
0xc0: {  	_ =	sfence.sel $0xFFFF  }
0xc1: {  	[dreg:$0x0] =	wrdreg $0xFFFFFFFF;
	(pc) =	sbr.abs _section_cstart, $3  }
0xc2: {  	[dreg:$0x1] =	wrdreg $0xFFFFFFFF  }
0xc3: {  	_ =	task.clear_ibuf [dreg:s8], $0x2FFFF;
	_ =	strace $0x9FFFFFFF  }
0xc4: {  	(tm) =	ssettm $0x7FFFFFFF  }
0xc5: {  	_ =	shalt  }
tec
execute0_lowered:
.L_overlay_start_1:
0x0: {  	(tag) =	ssettag $0x1  }
0x1: {  	s3 =	rddreg [dreg:$0x0]  }
0x2: {  	s4 =	rddreg [dreg:$0x1]  }
0x3: {  	s5 =	rddreg [dreg:$0x2]  }
0x4: {  	s0 =	rddreg [dreg:$0x3];
	s6 =	srdreg.scid  }
0x5: {  	s2 =	simm.s32 $0x0;
	s1 =	stileid.u32;
	s10 =	simm.s32 $0x1000  }
0x6: {  	s11 =	simm.s32 $0x20000;
	s12 =	simm.s32 $0x2200;
	s13 =	simm.s32 $0x6200  }
0x7: {  	s14 =	simm.s32 $0x0;
	s6 =	sand.u32 $0x1, s6;
	[smem:$0x7FF] =	sst s2  }
0x8: {  	s7 =	sshll.u32 s1, $0xA;
	s3 =	sadd.s32 $0xC00, s3;
	s8 =	sshll.u32 s6, $0x9  }
0x9: {  	_ =	strace $0x80000047;
	s6 =	ssub.s32 $0x2, s6;
	s7 =	sor.u32 s8, s7  }
0xa: {  	s31 =	sshrl.u32 s6, $0x1;
	s9 =	sshrl.u32 s7, $0x3;
	s5 =	sadd.s32 s5, s7  }
0xb: {  	s8 =	ssub.s32 s6, s31;
	s4 =	sadd.s32 s4, s9;
	s6 =	sadd.s32 $0x10000, s5  }
0xc: {  	s7 =	smax.u32 s8, $0x1;
	s8 =	simm.s32 $0x1;
	s9 =	simm.s32 $0x2  }
.LBB2_1:
0xd: {  	[tilespmem:s2], [sflag:$0x1] =	stream.linear.gather [hbm4b:s3+s2], $0x2000, $0x38;
	[tilespmem:$0xA200] =	vst v63  }
0xe: {  	_ =	swait.ge [sflag:s8], $0x2000  }
0xf: {  	[sflag:s8] =	ssyncset.done $0x0  }
0x10: {  	s16 =	simm.s32 $0x2000;
	[sflag:s8] =	ssyncadd.s32 $0xFFFFE000  }
0x11: {  	[tilespmem:s16], [sflag:$0x2] =	stream.linear.gather [hbm4b:s4+s2], $0x200, $0x38;
	[tilespmem:$0xA200] =	vst v63  }
0x12: {  	_ =	swait.ge [sflag:s9], $0x200  }
0x13: {  	[sflag:s9] =	ssyncset.done $0x0  }
0x14: {  	[sflag:s9] =	ssyncadd.s32 $0xFFFFFE00  }
0x15: {  	v19 =	vld [tilespmem:$0x0]  }
0x16: {  	v20 =	vld [tilespmem:$0x80]  }
0x17: {  	v22 =	vld [tilespmem:$0x100]  }
0x18: {  	v23 =	vld [tilespmem:$0x180]  }
0x19: {  	v25 =	vld [tilespmem:$0x200]  }
0x1a: {  	v26 =	vld [tilespmem:$0x280]  }
0x1b: {  	v27 =	vld [tilespmem:$0x300]  }
0x1c: {  	v21 =	vld [tilespmem:$0x380]  }
0x1d: {  	v17 =	vld [tilespmem:$0x400]  }
0x1e: {  	v13 =	vld [tilespmem:$0x480]  }
0x1f: {  	v16 =	vld [tilespmem:$0x500]  }
0x20: {  	v0 =	vld [tilespmem:$0x580]  }
0x21: {  	v1 =	vld [tilespmem:$0x600]  }
0x22: {  	v2 =	vld [tilespmem:$0x680]  }
0x23: {  	v3 =	vld [tilespmem:$0x700]  }
0x24: {  	v4 =	vld [tilespmem:$0x780]  }
0x25: {  	v5 =	vld [tilespmem:$0x800]  }
0x26: {  	v6 =	vld [tilespmem:$0x880]  }
0x27: {  	v7 =	vld [tilespmem:$0x900]  }
0x28: {  	v8 =	vld [tilespmem:$0x980]  }
0x29: {  	v10 =	vld [tilespmem:$0xA00]  }
0x2a: {  	v11 =	vld [tilespmem:$0xA80]  }
0x2b: {  	v12 =	vld [tilespmem:$0xB00]  }
0x2c: {  	v14 =	vld [tilespmem:$0xB80]  }
0x2d: {  	v15 =	vld [tilespmem:$0xC00]  }
0x2e: {  	v9 =	vld [tilespmem:s16+$0x0]  }
0x2f: {  	v18 =	vld [tilespmem:$0xC80]  }
0x30: {  	v24 =	vld [tilespmem:$0xD00]  }
0x31: {  	v28 =	vld [tilespmem:$0xD80]  }
0x32: {  	v29 =	vld [tilespmem:$0xE00]  }
0x33: {  	s15 =	sand.u32 $0x70, s2;
	s17 =	sand.u32 $0xC00, s2;
	v30 =	vld [tilespmem:$0xE80];
	v34 =	vperm.xlane v19, v9  }
0x34: {  	s15 =	sor.u32 s15, s17;
	v31 =	vld [tilespmem:$0xF00];
	v38 =	vperm.xlane v27, v9;
	v36 =	vperm.xlane v22, v9  }
0x35: {  	v32 =	vld [tilespmem:$0xF80];
	v33 =	vperm.xlane v25, v9;
	v37 =	vperm.xlane v20, v9;
	[tilespmem:s15+$0x2200] =	vst v34  }
0x36: {  	s18 =	simm.s32 $0x10;
	s19 =	simm.s32 $0x0;
	s17 =	sor.u32 s2, s2;
	v35 =	vperm.xlane v23, v9;
	v34 =	vperm.xlane v26, v9;
	[tilespmem:s15+$0x2500] =	vst v38  }
.LBB2_2:
0x37: {  	p0 =	sne.s32 s18, $0x1F0;
	[tilespmem:s15+$0x2300] =	vst v36;
	s19 =	sadd.s32 $0x80, s19;
	s16 =	sadd.s32 $0x10, s16  }
0x38: {  	s20 =	smov.u32 s18;
	s21 =	sor.u32 s19, s18;
	[tilespmem:s15+$0x2280] =	vst v37;
	s18 =	sadd.s32 $0x10, s18  }
0x39: {  	[tilespmem:s15+$0x2400] =	vst v33  }
0x3a: {  	v33 =	vperm.xlane v21, v9;
	[tilespmem:s15+$0x2380] =	vst v35  }
0x3b: {  	s22 =	sor.u32 $0x380, s17;
	s17 =	smov.u32 s21;
	[tilespmem:s15+$0x2480] =	vst v34;
	v34 =	vperm.xlane v17, v9  }
0x3c: {  	[tilespmem:s22+$0x2200] =	vst v33;
	v33 =	vperm.xlane v32, v9  }
0x3d: {  	[tilespmem:s15+$0x3200] =	vst v34;
	v34 =	vperm.xlane v16, v9  }
0x3e: {  	v35 =	vperm.xlane v31, v9;
	[tilespmem:s15+$0x5580] =	vst v33  }
0x3f: {  	v33 =	vperm.xlane v13, v9;
	[tilespmem:s15+$0x3300] =	vst v34  }
0x40: {  	v34 =	vperm.xlane v30, v9;
	[tilespmem:s15+$0x5500] =	vst v35  }
0x41: {  	[tilespmem:s15+$0x3280] =	vst v33;
	v33 =	vperm.xlane v29, v9  }
0x42: {  	v35 =	vperm.xlane v28, v9;
	[tilespmem:s15+$0x5480] =	vst v34  }
0x43: {  	v34 =	vperm.xlane v24, v9;
	[tilespmem:s15+$0x5400] =	vst v33  }
0x44: {  	v33 =	vperm.xlane v18, v9;
	[tilespmem:s15+$0x5380] =	vst v35  }
0x45: {  	v35 =	vperm.xlane v15, v9;
	[tilespmem:s15+$0x5300] =	vst v34  }
0x46: {  	v34 =	vperm.xlane v14, v9;
	[tilespmem:s15+$0x5280] =	vst v33  }
0x47: {  	v33 =	vperm.xlane v12, v9;
	[tilespmem:s15+$0x5200] =	vst v35  }
0x48: {  	v35 =	vperm.xlane v11, v9;
	[tilespmem:s15+$0x4580] =	vst v34  }
0x49: {  	v34 =	vperm.xlane v10, v9;
	[tilespmem:s15+$0x4500] =	vst v33  }
0x4a: {  	v33 =	vperm.xlane v8, v9;
	[tilespmem:s15+$0x4480] =	vst v35  }
0x4b: {  	v35 =	vperm.xlane v7, v9;
	[tilespmem:s15+$0x4400] =	vst v34  }
0x4c: {  	v34 =	vperm.xlane v6, v9;
	[tilespmem:s15+$0x4380] =	vst v33  }
0x4d: {  	v33 =	vperm.xlane v5, v9;
	[tilespmem:s15+$0x4300] =	vst v35  }
0x4e: {  	v35 =	vperm.xlane v4, v9;
	[tilespmem:s15+$0x4280] =	vst v34  }
0x4f: {  	v34 =	vperm.xlane v3, v9;
	[tilespmem:s15+$0x4200] =	vst v33  }
0x50: {  	v33 =	vperm.xlane v2, v9;
	[tilespmem:s15+$0x3580] =	vst v35  }
0x51: {  	v35 =	vperm.xlane v0, v9;
	v9 =	vperm.xlane v1, v9;
	[tilespmem:s15+$0x3500] =	vst v34  }
0x52: {  	[tilespmem:s15+$0x3480] =	vst v33  }
0x53: {  	[tilespmem:s15+$0x3400] =	vst v9  }
0x54: {  	[tilespmem:s15+$0x3380] =	vst v35  }
0x55: {  	v9 =	vld [tilespmem:s16+$0x0];
	_ =	sdelay $0x3  }
.Ltmp0:
0x56: {  	(pc) =	sbr.rel @p0 .LBB2_2-.Ltmp0, $4  }
0x57: {  	s15 =	sand.u32 $0x70, s20;
	s20 =	sand.u32 $0xC00, s19;
	v34 =	vperm.xlane v19, v9;
	v38 =	vperm.xlane v27, v9  }
0x58: {  	s15 =	sor.u32 s15, s20;
	v36 =	vperm.xlane v22, v9;
	v33 =	vperm.xlane v25, v9  }
0x59: {  	v37 =	vperm.xlane v20, v9;
	v35 =	vperm.xlane v23, v9;
	[tilespmem:s15+$0x2200] =	vst v34  }
0x5a: {  	v34 =	vperm.xlane v26, v9;
	[tilespmem:s15+$0x2500] =	vst v38  }
0x5b: {  	[tilespmem:s15+$0x2300] =	vst v36  }
0x5c: {  	[tilespmem:s15+$0x2280] =	vst v37  }
0x5d: {  	[tilespmem:s15+$0x2400] =	vst v33  }
0x5e: {  	[tilespmem:s15+$0x2380] =	vst v35;
	v19 =	vperm.xlane v21, v9  }
0x5f: {  	s16 =	sor.u32 $0x380, s17;
	v17 =	vperm.xlane v17, v9;
	[tilespmem:s15+$0x2480] =	vst v34  }
0x60: {  	v16 =	vperm.xlane v16, v9;
	[tilespmem:s16+$0x2200] =	vst v19  }
0x61: {  	v13 =	vperm.xlane v13, v9;
	[tilespmem:s15+$0x3200] =	vst v17  }
0x62: {  	v15 =	vperm.xlane v15, v9;
	[tilespmem:s15+$0x3300] =	vst v16  }
0x63: {  	v14 =	vperm.xlane v14, v9;
	[tilespmem:s15+$0x3280] =	vst v13  }
0x64: {  	v12 =	vperm.xlane v12, v9;
	[tilespmem:s15+$0x5200] =	vst v15  }
0x65: {  	v11 =	vperm.xlane v11, v9;
	[tilespmem:s15+$0x4580] =	vst v14  }
0x66: {  	v10 =	vperm.xlane v10, v9;
	[tilespmem:s15+$0x4500] =	vst v12  }
0x67: {  	v8 =	vperm.xlane v8, v9;
	[tilespmem:s15+$0x4480] =	vst v11  }
0x68: {  	v7 =	vperm.xlane v7, v9;
	[tilespmem:s15+$0x4400] =	vst v10  }
0x69: {  	v6 =	vperm.xlane v6, v9;
	[tilespmem:s15+$0x4380] =	vst v8  }
0x6a: {  	v5 =	vperm.xlane v5, v9;
	[tilespmem:s15+$0x4300] =	vst v7  }
0x6b: {  	v4 =	vperm.xlane v4, v9;
	[tilespmem:s15+$0x4280] =	vst v6  }
0x6c: {  	v3 =	vperm.xlane v3, v9;
	[tilespmem:s15+$0x4200] =	vst v5  }
0x6d: {  	v2 =	vperm.xlane v2, v9;
	[tilespmem:s15+$0x3580] =	vst v4  }
0x6e: {  	v1 =	vperm.xlane v1, v9;
	[tilespmem:s15+$0x3500] =	vst v3  }
0x6f: {  	v0 =	vperm.xlane v0, v9;
	[tilespmem:s15+$0x3480] =	vst v2  }
0x70: {  	v19 =	vperm.xlane v32, v9;
	[tilespmem:s15+$0x3400] =	vst v1  }
0x71: {  	v17 =	vperm.xlane v31, v9;
	[tilespmem:s15+$0x3380] =	vst v0  }
0x72: {  	v16 =	vperm.xlane v30, v9;
	[tilespmem:s15+$0x5580] =	vst v19  }
0x73: {  	v13 =	vperm.xlane v29, v9;
	[tilespmem:s15+$0x5500] =	vst v17  }
0x74: {  	v17 =	vperm.xlane v28, v9;
	[tilespmem:s15+$0x5480] =	vst v16  }
0x75: {  	v16 =	vperm.xlane v24, v9;
	[tilespmem:s15+$0x5400] =	vst v13  }
0x76: {  	v13 =	vperm.xlane v18, v9;
	[tilespmem:s15+$0x5380] =	vst v17  }
0x77: {  	[tilespmem:s15+$0x5300] =	vst v16  }
0x78: {  	[tilespmem:s15+$0x5280] =	vst v13  }
0x79: {  	[hbm4b:s5+s10] =	stream.strided.scatter [tilespmem:s12], [sflag:$0x1], $0x4000, s11, s10, $0x38;
	[tilespmem:$0xA200] =	vst v63  }
0x7a: {  	v31 =	vld [tilespmem:$0x1000]  }
0x7b: {  	v30 =	vld [tilespmem:$0x1080]  }
0x7c: {  	v29 =	vld [tilespmem:$0x1100]  }
0x7d: {  	v28 =	vld [tilespmem:$0x1180]  }
0x7e: {  	v27 =	vld [tilespmem:$0x1200]  }
0x7f: {  	v26 =	vld [tilespmem:$0x1280]  }
0x80: {  	v25 =	vld [tilespmem:$0x1300]  }
0x81: {  	v24 =	vld [tilespmem:$0x1380]  }
0x82: {  	v23 =	vld [tilespmem:$0x1400]  }
0x83: {  	v22 =	vld [tilespmem:$0x1480]  }
0x84: {  	v21 =	vld [tilespmem:$0x1500]  }
0x85: {  	v20 =	vld [tilespmem:$0x1580]  }
0x86: {  	v19 =	vld [tilespmem:$0x1600]  }
0x87: {  	v18 =	vld [tilespmem:$0x1680]  }
0x88: {  	v17 =	vld [tilespmem:$0x1700]  }
0x89: {  	v16 =	vld [tilespmem:$0x1780]  }
0x8a: {  	v15 =	vld [tilespmem:$0x1800]  }
0x8b: {  	v14 =	vld [tilespmem:$0x1880]  }
0x8c: {  	v13 =	vld [tilespmem:$0x1900]  }
0x8d: {  	v12 =	vld [tilespmem:$0x1980]  }
0x8e: {  	v11 =	vld [tilespmem:$0x1A00]  }
0x8f: {  	v10 =	vld [tilespmem:$0x1A80]  }
0x90: {  	v9 =	vld [tilespmem:$0x1B00]  }
0x91: {  	v8 =	vld [tilespmem:$0x1B80]  }
0x92: {  	s29 =	simm.s32 $0x2000;
	v6 =	vld [tilespmem:$0x1C00]  }
0x93: {  	v32 =	vld [tilespmem:s29+$0x0]  }
0x94: {  	v3 =	vld [tilespmem:$0x1C80]  }
0x95: {  	v7 =	vld [tilespmem:$0x1D00]  }
0x96: {  	v4 =	vld [tilespmem:$0x1D80]  }
0x97: {  	s15 =	simm.s32 $0x0;
	v2 =	vld [tilespmem:$0x1E00]  }
0x98: {  	s30 =	sand.u32 $0x70, s15;
	s31 =	sand.u32 $0xC00, s15;
	v0 =	vld [tilespmem:$0x1E80];
	v61 =	vperm.xlane v31, v32  }
0x99: {  	v1 =	vld [tilespmem:$0x1F00];
	s16 =	sor.u32 s30, s31;
	v62 =	vperm.xlane v30, v32  }
0x9a: {  	v5 =	vld [tilespmem:$0x1F80];
	v63 =	vperm.xlane v29, v32;
	[tilespmem:s16+$0x6200] =	vst v61  }
0x9b: {  	v36 =	vperm.xlane v28, v32;
	[tilespmem:s16+$0x6280] =	vst v62  }
0x9c: {  	v37 =	vperm.xlane v27, v32;
	[tilespmem:s16+$0x6300] =	vst v63  }
0x9d: {  	v38 =	vperm.xlane v26, v32;
	[tilespmem:s16+$0x6380] =	vst v36  }
0x9e: {  	v39 =	vperm.xlane v25, v32;
	[tilespmem:s16+$0x6400] =	vst v37  }
0x9f: {  	v40 =	vperm.xlane v24, v32;
	[tilespmem:s16+$0x6480] =	vst v38  }
0xa0: {  	v41 =	vperm.xlane v23, v32;
	[tilespmem:s16+$0x6500] =	vst v39  }
0xa1: {  	v42 =	vperm.xlane v22, v32;
	[tilespmem:s16+$0x6580] =	vst v40  }
0xa2: {  	v43 =	vperm.xlane v21, v32;
	[tilespmem:s16+$0x7200] =	vst v41  }
0xa3: {  	v44 =	vperm.xlane v20, v32;
	[tilespmem:s16+$0x7280] =	vst v42  }
0xa4: {  	v45 =	vperm.xlane v19, v32;
	[tilespmem:s16+$0x7300] =	vst v43  }
0xa5: {  	v46 =	vperm.xlane v18, v32;
	[tilespmem:s16+$0x7380] =	vst v44  }
0xa6: {  	v47 =	vperm.xlane v17, v32;
	[tilespmem:s16+$0x7400] =	vst v45  }
0xa7: {  	v48 =	vperm.xlane v16, v32;
	[tilespmem:s16+$0x7480] =	vst v46  }
0xa8: {  	v49 =	vperm.xlane v15, v32;
	[tilespmem:s16+$0x7500] =	vst v47  }
0xa9: {  	v50 =	vperm.xlane v14, v32;
	[tilespmem:s16+$0x7580] =	vst v48  }
0xaa: {  	v51 =	vperm.xlane v13, v32;
	[tilespmem:s16+$0x8200] =	vst v49  }
0xab: {  	v52 =	vperm.xlane v12, v32;
	[tilespmem:s16+$0x8280] =	vst v50  }
0xac: {  	v53 =	vperm.xlane v11, v32;
	[tilespmem:s16+$0x8300] =	vst v51  }
0xad: {  	v54 =	vperm.xlane v10, v32;
	[tilespmem:s16+$0x8380] =	vst v52  }
0xae: {  	v55 =	vperm.xlane v9, v32;
	[tilespmem:s16+$0x8400] =	vst v53  }
0xaf: {  	v56 =	vperm.xlane v8, v32;
	[tilespmem:s16+$0x8480] =	vst v54  }
0xb0: {  	v57 =	vperm.xlane v6, v32;
	[tilespmem:s16+$0x8500] =	vst v55  }
0xb1: {  	v58 =	vperm.xlane v3, v32;
	[tilespmem:s16+$0x8580] =	vst v56  }
0xb2: {  	v59 =	vperm.xlane v7, v32;
	[tilespmem:s16+$0x9200] =	vst v57  }
0xb3: {  	v60 =	vperm.xlane v4, v32;
	[tilespmem:s16+$0x9280] =	vst v58  }
0xb4: {  	v61 =	vperm.xlane v2, v32;
	[tilespmem:s16+$0x9300] =	vst v59  }
0xb5: {  	v62 =	vperm.xlane v0, v32;
	[tilespmem:s16+$0x9380] =	vst v60  }
0xb6: {  	v63 =	vperm.xlane v1, v32;
	[tilespmem:s16+$0x9400] =	vst v61  }
0xb7: {  	v32 =	vperm.xlane v5, v32;
	[tilespmem:s16+$0x9480] =	vst v62  }
0xb8: {  	[tilespmem:s16+$0x9500] =	vst v63  }
0xb9: {  	[tilespmem:s16+$0x9580] =	vst v32;
	s16 =	simm.s32 $0x2010  }
0xba: {  	s17 =	simm.s32 $0x10;
	s18 =	simm.s32 $0x20;
	v32 =	vld [tilespmem:s16+$0x0]  }
.LBB2_4:
0xbb: {  	p0 =	sne.s32 s18, $0x1F0;
	_ =	sdelay $0x2  }
0xbc: {  	s15 =	sadd.s32 $0x80, s15  }
0xbd: {  	s19 =	sand.u32 $0x70, s17;
	s17 =	smov.u32 s18;
	s20 =	sand.u32 $0xC00, s15;
	v33 =	vperm.xlane v31, v32;
	v34 =	vperm.xlane v30, v32  }
0xbe: {  	s19 =	sor.u32 s19, s20;
	v35 =	vperm.xlane v29, v32;
	v36 =	vperm.xlane v28, v32  }
0xbf: {  	v37 =	vperm.xlane v26, v32;
	[tilespmem:s19+$0x6200] =	vst v33;
	v33 =	vperm.xlane v27, v32  }
0xc0: {  	v38 =	vperm.xlane v24, v32;
	[tilespmem:s19+$0x6280] =	vst v34;
	v34 =	vperm.xlane v25, v32  }
0xc1: {  	v39 =	vperm.xlane v22, v32;
	[tilespmem:s19+$0x6300] =	vst v35;
	v35 =	vperm.xlane v23, v32  }
0xc2: {  	v40 =	vperm.xlane v20, v32;
	[tilespmem:s19+$0x6380] =	vst v36;
	v36 =	vperm.xlane v21, v32  }
0xc3: {  	v41 =	vperm.xlane v18, v32;
	[tilespmem:s19+$0x6400] =	vst v33;
	v33 =	vperm.xlane v19, v32  }
0xc4: {  	v42 =	vperm.xlane v16, v32;
	[tilespmem:s19+$0x6480] =	vst v37;
	v37 =	vperm.xlane v17, v32  }
0xc5: {  	v43 =	vperm.xlane v14, v32;
	[tilespmem:s19+$0x6500] =	vst v34;
	v34 =	vperm.xlane v15, v32  }
0xc6: {  	v44 =	vperm.xlane v12, v32;
	[tilespmem:s19+$0x6580] =	vst v38;
	v38 =	vperm.xlane v13, v32  }
0xc7: {  	v45 =	vperm.xlane v10, v32;
	[tilespmem:s19+$0x7200] =	vst v35;
	v35 =	vperm.xlane v11, v32  }
0xc8: {  	v46 =	vperm.xlane v8, v32;
	[tilespmem:s19+$0x7280] =	vst v39;
	v39 =	vperm.xlane v9, v32  }
0xc9: {  	v47 =	vperm.xlane v3, v32;
	[tilespmem:s19+$0x7300] =	vst v36;
	v36 =	vperm.xlane v6, v32  }
0xca: {  	v48 =	vperm.xlane v4, v32;
	[tilespmem:s19+$0x7380] =	vst v40;
	v40 =	vperm.xlane v7, v32  }
0xcb: {  	v49 =	vperm.xlane v0, v32;
	[tilespmem:s19+$0x7400] =	vst v33;
	v33 =	vperm.xlane v2, v32  }
0xcc: {  	[tilespmem:s19+$0x7480] =	vst v41;
	v41 =	vperm.xlane v1, v32;
	v32 =	vperm.xlane v5, v32  }
0xcd: {  	[tilespmem:s19+$0x7500] =	vst v37  }
0xce: {  	[tilespmem:s19+$0x7580] =	vst v42  }
0xcf: {  	[tilespmem:s19+$0x8200] =	vst v34  }
0xd0: {  	[tilespmem:s19+$0x8280] =	vst v43  }
0xd1: {  	[tilespmem:s19+$0x8300] =	vst v38  }
0xd2: {  	[tilespmem:s19+$0x8380] =	vst v44  }
0xd3: {  	[tilespmem:s19+$0x8400] =	vst v35  }
0xd4: {  	[tilespmem:s19+$0x8480] =	vst v45  }
0xd5: {  	[tilespmem:s19+$0x8500] =	vst v39  }
0xd6: {  	[tilespmem:s19+$0x8580] =	vst v46  }
0xd7: {  	[tilespmem:s19+$0x9200] =	vst v36  }
0xd8: {  	[tilespmem:s19+$0x9280] =	vst v47  }
0xd9: {  	[tilespmem:s19+$0x9300] =	vst v40  }
0xda: {  	[tilespmem:s19+$0x9380] =	vst v48  }
.Ltmp1:
0xdb: {  	[tilespmem:s19+$0x9400] =	vst v33;
	(pc) =	sbr.rel @p0 .LBB2_4-.Ltmp1, $4  }
0xdc: {  	[tilespmem:s19+$0x9480] =	vst v49  }
0xdd: {  	[tilespmem:s19+$0x9500] =	vst v41  }
0xde: {  	s16 =	sadd.s32 $0x10, s16;
	[tilespmem:s19+$0x9580] =	vst v32  }
0xdf: {  	s18 =	sadd.s32 $0x10, s18;
	v32 =	vld [tilespmem:s16+$0x0]  }
0xe0: {  	_ =	sdelay $0x2  }
0xe1: {  	s15 =	sadd.s32 $0x80, s15  }
0xe2: {  	s16 =	sand.u32 $0x70, s17;
	s15 =	sand.u32 $0xC00, s15;
	v31 =	vperm.xlane v31, v32  }
0xe3: {  	s15 =	sor.u32 s16, s15;
	v30 =	vperm.xlane v30, v32  }
0xe4: {  	v29 =	vperm.xlane v29, v32;
	[tilespmem:s15+$0x6200] =	vst v31  }
0xe5: {  	v28 =	vperm.xlane v28, v32;
	[tilespmem:s15+$0x6280] =	vst v30  }
0xe6: {  	v27 =	vperm.xlane v27, v32;
	[tilespmem:s15+$0x6300] =	vst v29  }
0xe7: {  	v26 =	vperm.xlane v26, v32;
	[tilespmem:s15+$0x6380] =	vst v28  }
0xe8: {  	v25 =	vperm.xlane v25, v32;
	[tilespmem:s15+$0x6400] =	vst v27  }
0xe9: {  	v24 =	vperm.xlane v24, v32;
	[tilespmem:s15+$0x6480] =	vst v26  }
0xea: {  	v23 =	vperm.xlane v23, v32;
	[tilespmem:s15+$0x6500] =	vst v25  }
0xeb: {  	v22 =	vperm.xlane v22, v32;
	[tilespmem:s15+$0x6580] =	vst v24  }
0xec: {  	v21 =	vperm.xlane v21, v32;
	[tilespmem:s15+$0x7200] =	vst v23  }
0xed: {  	v20 =	vperm.xlane v20, v32;
	[tilespmem:s15+$0x7280] =	vst v22  }
0xee: {  	v19 =	vperm.xlane v19, v32;
	[tilespmem:s15+$0x7300] =	vst v21  }
0xef: {  	v18 =	vperm.xlane v18, v32;
	[tilespmem:s15+$0x7380] =	vst v20  }
0xf0: {  	v17 =	vperm.xlane v17, v32;
	[tilespmem:s15+$0x7400] =	vst v19  }
0xf1: {  	v16 =	vperm.xlane v16, v32;
	[tilespmem:s15+$0x7480] =	vst v18  }
0xf2: {  	v15 =	vperm.xlane v15, v32;
	[tilespmem:s15+$0x7500] =	vst v17  }
0xf3: {  	v14 =	vperm.xlane v14, v32;
	[tilespmem:s15+$0x7580] =	vst v16  }
0xf4: {  	v13 =	vperm.xlane v13, v32;
	[tilespmem:s15+$0x8200] =	vst v15  }
0xf5: {  	v12 =	vperm.xlane v12, v32;
	[tilespmem:s15+$0x8280] =	vst v14  }
0xf6: {  	v11 =	vperm.xlane v11, v32;
	[tilespmem:s15+$0x8300] =	vst v13  }
0xf7: {  	v10 =	vperm.xlane v10, v32;
	[tilespmem:s15+$0x8380] =	vst v12  }
0xf8: {  	v9 =	vperm.xlane v9, v32;
	[tilespmem:s15+$0x8400] =	vst v11  }
0xf9: {  	v8 =	vperm.xlane v8, v32;
	[tilespmem:s15+$0x8480] =	vst v10  }
0xfa: {  	v6 =	vperm.xlane v6, v32;
	[tilespmem:s15+$0x8500] =	vst v9  }
0xfb: {  	v3 =	vperm.xlane v3, v32;
	[tilespmem:s15+$0x8580] =	vst v8  }
0xfc: {  	v7 =	vperm.xlane v7, v32;
	[tilespmem:s15+$0x9200] =	vst v6  }
0xfd: {  	v4 =	vperm.xlane v4, v32;
	[tilespmem:s15+$0x9280] =	vst v3  }
0xfe: {  	v2 =	vperm.xlane v2, v32;
	[tilespmem:s15+$0x9300] =	vst v7  }
0xff: {  	v0 =	vperm.xlane v0, v32;
	[tilespmem:s15+$0x9380] =	vst v4  }
0x100: {  	v1 =	vperm.xlane v1, v32;
	[tilespmem:s15+$0x9400] =	vst v2  }
0x101: {  	v63 =	vperm.xlane v5, v32;
	[tilespmem:s15+$0x9480] =	vst v0  }
0x102: {  	[tilespmem:s15+$0x9500] =	vst v1  }
0x103: {  	s14 =	sadd.s32 $0x1, s14;
	[tilespmem:s15+$0x9580] =	vst v63  }
0x104: {  	[hbm4b:s6+s10] =	stream.strided.scatter [tilespmem:s13], [sflag:$0x1], $0x4000, s11, s10, $0x38;
	[tilespmem:$0xA200] =	vst v63  }
0x105: {  	p0 =	sne.s32 s14, s7;
	_ =	swait.ge [sflag:s8], $0x4000  }
.Ltmp2:
0x106: {  	[sflag:s8] =	ssyncset.done $0x0;
	(pc) =	sbr.rel @p0 .LBB2_1-.Ltmp2, $4  }
0x107: {  	[sflag:s8] =	ssyncadd.s32 $0xFFFFC000  }
0x108: {  	_ =	swait.ge [sflag:s8], $0x4000  }
0x109: {  	[sflag:s8] =	ssyncset.done $0x0  }
0x10a: {  	[sflag:s8] =	ssyncadd.s32 $0xFFFFC000  }
0x10b: {  	_ =	sfence.sel $0x180000  }
0x10c: {  	[bflag:$0x0] =	sbarrier.arrive $0xFFFF  }
0x10d: {  	p0 =	sne.s32 s1, $0x0;
	_ =	strace $0x90000047  }
0x10e: {  	s0 =	sadd.s32 @!p0 $0x100000, s0;
	[bflag:$0x2] =	sbarrier.arrive $0xFFFF  }
0x10f: {  	[sflag:s0] =	ssyncadd.tile.s32 @!p0 $0x1;
	_ =	shalt  }
.Lfunc_end2:
_tile_overlayer_lowered:
.L_overlay_start_2:
0x110: {  	(tag) =	ssettag $0x2  }
0x111: {  	s0 =	rddreg [dreg:$0x0];
	s2 =	stileid.u32  }
0x112: {  	s1 =	rddreg [dreg:$0x1];
	p0 =	sne.s32 s2, $0x0  }
0x113: {  	s3 =	rddreg [dreg:$0x2];
	[bflag:$0x3] =	sbarrier.arrive $0xFFFF;
	s2 =	simm.s32 @!p0 $0x1C02  }
0x114: {  	[timem:s3], [sflag:s2] =	dma.local @!p0 [hbm:s0], s1  }
0x115: {  	s0 =	simm.s32 @!p0 $0x2  }
0x116: {  	_ =	swait.ge @!p0 [sflag:s0], s1  }
0x117: {  	s1 =	ssub.s32 @!p0 $0x0, s1;
	[sflag:s0] =	ssyncset.done @!p0 $0x0  }
0x118: {  	[sflag:s0] =	ssyncadd.s32 @!p0 s1  }
0x119: {  	[bflag:$0x3] =	sbarrier.arrive $0xFFFF  }
0x11a: {  	_ =	shalt  }

</sc_bundles>
